<compile_context>
chip_gen: v7x
topology: tpu7x:2x2x1
jax: 0.10.2.dev20260603
libtpu: 0.0.44.dev20260713+nightly
codegen_flags: <defaults>
</compile_context>

<pallas_src>
import functools

import jax
import jax.numpy as jnp
from jax import lax
from jax.experimental import pallas as pl
from jax.experimental.pallas import tpu as pltpu
from jax.experimental.pallas import tpu_sc as plsc

V = 10000
D = 128
B = 320000
NC, NS = 2, 16
NW = NC * NS
BPW = B // NW
CH = 80
NCH = BPW // CH
KA = 2
SLAB = 400
NSLAB = V // SLAB

_mesh = plsc.VectorSubcoreMesh(core_axis_name="c", subcore_axis_name="s")


@functools.partial(
    pl.kernel,
    mesh=_mesh,
    out_type=jax.ShapeDtypeStruct((B, D), jnp.float32),
    scratch_types=[
        pltpu.VMEM((NCH, CH), jnp.int32),
        pltpu.VMEM((2, CH, D), jnp.float32),
        pltpu.VMEM_SHARED((V, D), jnp.float32),
        pltpu.SemaphoreType.DMA,
        pltpu.SemaphoreType.DMA,
        pltpu.SemaphoreType.DMA,
        pltpu.SemaphoreType.DMA,
        pltpu.SemaphoreType.DMA,
    ],
)
def _gather_kernel(table_hbm, idx_hbm, out_hbm, idx_v, bufs, table_sp,
                   g0, g1, o0, o1, ssem):
    sid = lax.axis_index("s")
    wid = sid * NC + lax.axis_index("c")
    base = wid * BPW
    gsem = (g0, g1)
    osem = (o0, o1)

    def slab_copy(c):
        return pltpu.make_async_copy(
            table_hbm.at[pl.ds(c * SLAB, SLAB)],
            table_sp.at[pl.ds(c * SLAB, SLAB)],
            ssem,
        )

    for c in range(NSLAB):
        @pl.when(sid == c % NS)
        def _():
            slab_copy(c).start()

    pltpu.sync_copy(idx_hbm.at[wid], idx_v)

    def fire_chunk(g, p, src):
        pltpu.async_copy(src.at[idx_v.at[g]], bufs.at[p], gsem[p])

    def drain_chunk(p):
        pltpu.make_async_copy(
            table_hbm.at[pl.ds(0, CH)], bufs.at[p], gsem[p]
        ).wait()

    def out_copy(g, p):
        pltpu.async_copy(bufs.at[p], out_hbm.at[pl.ds(base + g * CH, CH)], osem[p])

    def drain_out(p):
        pltpu.make_async_copy(
            bufs.at[p], out_hbm.at[pl.ds(base, CH)], osem[p]
        ).wait()

    def make_body(src, fire_bound):
        def body(i, _):
            for p in (0, 1):
                g = 2 * i + p

                @pl.when(g >= 1)
                def _():
                    drain_out(1 - p)

                @pl.when(g + 1 < fire_bound)
                def _():
                    fire_chunk(g + 1, 1 - p, src)

                @pl.when(g < NCH)
                def _():
                    drain_chunk(p)

                @pl.when(g < NCH)
                def _():
                    out_copy(g, p)
            return 0
        return body

    fire_chunk(0, 0, table_hbm)
    lax.fori_loop(0, KA // 2, make_body(table_hbm, KA), 0)

    for c in range(NSLAB):
        @pl.when(sid == c % NS)
        def _():
            slab_copy(c).wait()
    plsc.subcore_barrier()

    fire_chunk(KA, 0, table_sp)
    lax.fori_loop(KA // 2, (NCH + 2) // 2, make_body(table_sp, NCH), 0)


def kernel(parent_features, child_to_parent_idx):
    idx3d = child_to_parent_idx.astype(jnp.int32).reshape(NW, NCH, CH)
    return _gather_kernel(parent_features, idx3d)

# --- scband reference (transcript-rebuilt; emitter-appended) ---
"""Pipeline reference for scband-hierarchical-broadcast-30133490549044 (READ-ONLY COPY).

The authoritative reference and input builder live on the scoring server;
editing this copy changes nothing except your own understanding.
"""

import jax, jax.numpy as jnp
import numpy as np


def setup_inputs(seed: int = 0) -> dict:
    key = jax.random.key(seed)
    k1, k2 = jax.random.split(key)
    parent_features = jax.random.normal(k1, (10000, 128), dtype=jnp.float32)
    child_to_parent_idx = jax.random.randint(k2, (320000,), 0, 10000, dtype=jnp.int64)
    return {"parent_features": parent_features, "child_to_parent_idx": child_to_parent_idx}


def reference(parent_features, child_to_parent_idx):
    # Broadcast parent features to children (top-down): pure gather.
    child_features = jnp.take(parent_features, child_to_parent_idx, axis=0)
    return child_features

if __name__ == "__main__":
    import jax
    _d = setup_inputs()
    print(jax.jit(kernel)(*tuple(_d.values())))

</pallas_src>

<mosaic_0001>
#map = affine_map<(d0, d1) -> (0, 0)>
#map1 = affine_map<(d0, d1) -> (0, 0, 0)>
module attributes {stable_mosaic.version = 14 : i64} {
  func.func @_gather_kernel(%arg0: i32, %arg1: i32, %arg2: memref<10000x128xf32, #tpu.memory_space<hbm>>, %arg3: memref<32x125x80xi32, #tpu.memory_space<hbm>>, %arg4: memref<320000x128xf32, #tpu.memory_space<hbm>>, %arg5: memref<125x80xi32, #tpu.memory_space<vmem>>, %arg6: memref<2x80x128xf32, #tpu.memory_space<vmem>>, %arg7: memref<10000x128xf32, #tpu.memory_space<vmem_shared>>, %arg8: memref<!tpu.dma_semaphore, #tpu.memory_space<semaphore_mem>>, %arg9: memref<!tpu.dma_semaphore, #tpu.memory_space<semaphore_mem>>, %arg10: memref<!tpu.dma_semaphore, #tpu.memory_space<semaphore_mem>>, %arg11: memref<!tpu.dma_semaphore, #tpu.memory_space<semaphore_mem>>, %arg12: memref<!tpu.dma_semaphore, #tpu.memory_space<semaphore_mem>>) attributes {dimension_semantics = [#tpu.dimension_semantics<core_parallel>, #tpu.dimension_semantics<subcore_parallel>], iteration_bounds = array<i64: 2, 16>, scalar_prefetch = 0 : i64, scratch_operands = 8 : i64, tpu.core_type = #tpu.core_type<sc_vector_subcore>, window_params = [{transform_indices = #map}, {transform_indices = #map1}, {transform_indices = #map}]} {
    %mul3A = arith.constant 2 : i32
    %mul3A_0 = arith.muli %arg1, %mul3A : i32
    %add3A = arith.addi %mul3A_0, %arg0 : i32
    %mul3A_1 = arith.constant 10000 : i32
    %mul3A_2 = arith.muli %add3A, %mul3A_1 : i32
    %eq3A = arith.constant 0 : i32
    %eq3A_3 = arith.cmpi eq, %arg1, %eq3A : i32
    %convert_element_type3A = arith.extui %eq3A_3 : i1 to i32
    %cond3A = arith.constant 0 : i32
    %cond3A_4 = arith.cmpi ne, %convert_element_type3A, %cond3A : i32
    scf.if %cond3A_4 {
      %dma_start3A_333 = arith.constant 0 : i32
      %dma_start3A_334 = arith.constant 0 : i32
      %dma_start3A_335 = tpu.memref_slice %arg7[%dma_start3A_333, %dma_start3A_334] : memref<10000x128xf32, #tpu.memory_space<vmem_shared>> -> memref<400x128xf32, #tpu.memory_space<vmem_shared>>
      %dma_start3A_336 = arith.constant 0 : i32
      %dma_start3A_337 = arith.constant 0 : i32
      %dma_start3A_338 = tpu.memref_slice %arg2[%dma_start3A_336, %dma_start3A_337] : memref<10000x128xf32, #tpu.memory_space<hbm>> -> memref<400x128xf32, #tpu.memory_space<hbm>>
      tpu.enqueue_dma source(%dma_start3A_338 : memref<400x128xf32, #tpu.memory_space<hbm>>) target(%dma_start3A_335 : memref<400x128xf32, #tpu.memory_space<vmem_shared>>) target_semaphore(%arg12 : memref<!tpu.dma_semaphore, #tpu.memory_space<semaphore_mem>>)
    } else {
    }
    %eq3A_5 = arith.constant 1 : i32
    %eq3A_6 = arith.cmpi eq, %arg1, %eq3A_5 : i32
    %convert_element_type3A_7 = arith.extui %eq3A_6 : i1 to i32
    %cond3A_8 = arith.constant 0 : i32
    %cond3A_9 = arith.cmpi ne, %convert_element_type3A_7, %cond3A_8 : i32
    scf.if %cond3A_9 {
      %dma_start3A_333 = arith.constant 400 : i32
      %dma_start3A_334 = arith.constant 0 : i32
      %dma_start3A_335 = tpu.memref_slice %arg7[%dma_start3A_333, %dma_start3A_334] : memref<10000x128xf32, #tpu.memory_space<vmem_shared>> -> memref<400x128xf32, #tpu.memory_space<vmem_shared>>
      %dma_start3A_336 = arith.constant 400 : i32
      %dma_start3A_337 = arith.constant 0 : i32
      %dma_start3A_338 = tpu.memref_slice %arg2[%dma_start3A_336, %dma_start3A_337] : memref<10000x128xf32, #tpu.memory_space<hbm>> -> memref<400x128xf32, #tpu.memory_space<hbm>>
      tpu.enqueue_dma source(%dma_start3A_338 : memref<400x128xf32, #tpu.memory_space<hbm>>) target(%dma_start3A_335 : memref<400x128xf32, #tpu.memory_space<vmem_shared>>) target_semaphore(%arg12 : memref<!tpu.dma_semaphore, #tpu.memory_space<semaphore_mem>>)
    } else {
    }
    %eq3A_10 = arith.constant 2 : i32
    %eq3A_11 = arith.cmpi eq, %arg1, %eq3A_10 : i32
    %convert_element_type3A_12 = arith.extui %eq3A_11 : i1 to i32
    %cond3A_13 = arith.constant 0 : i32
    %cond3A_14 = arith.cmpi ne, %convert_element_type3A_12, %cond3A_13 : i32
    scf.if %cond3A_14 {
      %dma_start3A_333 = arith.constant 800 : i32
      %dma_start3A_334 = arith.constant 0 : i32
      %dma_start3A_335 = tpu.memref_slice %arg7[%dma_start3A_333, %dma_start3A_334] : memref<10000x128xf32, #tpu.memory_space<vmem_shared>> -> memref<400x128xf32, #tpu.memory_space<vmem_shared>>
      %dma_start3A_336 = arith.constant 800 : i32
      %dma_start3A_337 = arith.constant 0 : i32
      %dma_start3A_338 = tpu.memref_slice %arg2[%dma_start3A_336, %dma_start3A_337] : memref<10000x128xf32, #tpu.memory_space<hbm>> -> memref<400x128xf32, #tpu.memory_space<hbm>>
      tpu.enqueue_dma source(%dma_start3A_338 : memref<400x128xf32, #tpu.memory_space<hbm>>) target(%dma_start3A_335 : memref<400x128xf32, #tpu.memory_space<vmem_shared>>) target_semaphore(%arg12 : memref<!tpu.dma_semaphore, #tpu.memory_space<semaphore_mem>>)
    } else {
    }
    %eq3A_15 = arith.constant 3 : i32
    %eq3A_16 = arith.cmpi eq, %arg1, %eq3A_15 : i32
    %convert_element_type3A_17 = arith.extui %eq3A_16 : i1 to i32
    %cond3A_18 = arith.constant 0 : i32
    %cond3A_19 = arith.cmpi ne, %convert_element_type3A_17, %cond3A_18 : i32
    scf.if %cond3A_19 {
      %dma_start3A_333 = arith.constant 1200 : i32
      %dma_start3A_334 = arith.constant 0 : i32
      %dma_start3A_335 = tpu.memref_slice %arg7[%dma_start3A_333, %dma_start3A_334] : memref<10000x128xf32, #tpu.memory_space<vmem_shared>> -> memref<400x128xf32, #tpu.memory_space<vmem_shared>>
      %dma_start3A_336 = arith.constant 1200 : i32
      %dma_start3A_337 = arith.constant 0 : i32
      %dma_start3A_338 = tpu.memref_slice %arg2[%dma_start3A_336, %dma_start3A_337] : memref<10000x128xf32, #tpu.memory_space<hbm>> -> memref<400x128xf32, #tpu.memory_space<hbm>>
      tpu.enqueue_dma source(%dma_start3A_338 : memref<400x128xf32, #tpu.memory_space<hbm>>) target(%dma_start3A_335 : memref<400x128xf32, #tpu.memory_space<vmem_shared>>) target_semaphore(%arg12 : memref<!tpu.dma_semaphore, #tpu.memory_space<semaphore_mem>>)
    } else {
    }
    %eq3A_20 = arith.constant 4 : i32
    %eq3A_21 = arith.cmpi eq, %arg1, %eq3A_20 : i32
    %convert_element_type3A_22 = arith.extui %eq3A_21 : i1 to i32
    %cond3A_23 = arith.constant 0 : i32
    %cond3A_24 = arith.cmpi ne, %convert_element_type3A_22, %cond3A_23 : i32
    scf.if %cond3A_24 {
      %dma_start3A_333 = arith.constant 1600 : i32
      %dma_start3A_334 = arith.constant 0 : i32
      %dma_start3A_335 = tpu.memref_slice %arg7[%dma_start3A_333, %dma_start3A_334] : memref<10000x128xf32, #tpu.memory_space<vmem_shared>> -> memref<400x128xf32, #tpu.memory_space<vmem_shared>>
      %dma_start3A_336 = arith.constant 1600 : i32
      %dma_start3A_337 = arith.constant 0 : i32
      %dma_start3A_338 = tpu.memref_slice %arg2[%dma_start3A_336, %dma_start3A_337] : memref<10000x128xf32, #tpu.memory_space<hbm>> -> memref<400x128xf32, #tpu.memory_space<hbm>>
      tpu.enqueue_dma source(%dma_start3A_338 : memref<400x128xf32, #tpu.memory_space<hbm>>) target(%dma_start3A_335 : memref<400x128xf32, #tpu.memory_space<vmem_shared>>) target_semaphore(%arg12 : memref<!tpu.dma_semaphore, #tpu.memory_space<semaphore_mem>>)
    } else {
    }
    %eq3A_25 = arith.constant 5 : i32
    %eq3A_26 = arith.cmpi eq, %arg1, %eq3A_25 : i32
    %convert_element_type3A_27 = arith.extui %eq3A_26 : i1 to i32
    %cond3A_28 = arith.constant 0 : i32
    %cond3A_29 = arith.cmpi ne, %convert_element_type3A_27, %cond3A_28 : i32
    scf.if %cond3A_29 {
      %dma_start3A_333 = arith.constant 2000 : i32
      %dma_start3A_334 = arith.constant 0 : i32
      %dma_start3A_335 = tpu.memref_slice %arg7[%dma_start3A_333, %dma_start3A_334] : memref<10000x128xf32, #tpu.memory_space<vmem_shared>> -> memref<400x128xf32, #tpu.memory_space<vmem_shared>>
      %dma_start3A_336 = arith.constant 2000 : i32
      %dma_start3A_337 = arith.constant 0 : i32
      %dma_start3A_338 = tpu.memref_slice %arg2[%dma_start3A_336, %dma_start3A_337] : memref<10000x128xf32, #tpu.memory_space<hbm>> -> memref<400x128xf32, #tpu.memory_space<hbm>>
      tpu.enqueue_dma source(%dma_start3A_338 : memref<400x128xf32, #tpu.memory_space<hbm>>) target(%dma_start3A_335 : memref<400x128xf32, #tpu.memory_space<vmem_shared>>) target_semaphore(%arg12 : memref<!tpu.dma_semaphore, #tpu.memory_space<semaphore_mem>>)
    } else {
    }
    %eq3A_30 = arith.constant 6 : i32
    %eq3A_31 = arith.cmpi eq, %arg1, %eq3A_30 : i32
    %convert_element_type3A_32 = arith.extui %eq3A_31 : i1 to i32
    %cond3A_33 = arith.constant 0 : i32
    %cond3A_34 = arith.cmpi ne, %convert_element_type3A_32, %cond3A_33 : i32
    scf.if %cond3A_34 {
      %dma_start3A_333 = arith.constant 2400 : i32
      %dma_start3A_334 = arith.constant 0 : i32
      %dma_start3A_335 = tpu.memref_slice %arg7[%dma_start3A_333, %dma_start3A_334] : memref<10000x128xf32, #tpu.memory_space<vmem_shared>> -> memref<400x128xf32, #tpu.memory_space<vmem_shared>>
      %dma_start3A_336 = arith.constant 2400 : i32
      %dma_start3A_337 = arith.constant 0 : i32
      %dma_start3A_338 = tpu.memref_slice %arg2[%dma_start3A_336, %dma_start3A_337] : memref<10000x128xf32, #tpu.memory_space<hbm>> -> memref<400x128xf32, #tpu.memory_space<hbm>>
      tpu.enqueue_dma source(%dma_start3A_338 : memref<400x128xf32, #tpu.memory_space<hbm>>) target(%dma_start3A_335 : memref<400x128xf32, #tpu.memory_space<vmem_shared>>) target_semaphore(%arg12 : memref<!tpu.dma_semaphore, #tpu.memory_space<semaphore_mem>>)
    } else {
    }
    %eq3A_35 = arith.constant 7 : i32
    %eq3A_36 = arith.cmpi eq, %arg1, %eq3A_35 : i32
    %convert_element_type3A_37 = arith.extui %eq3A_36 : i1 to i32
    %cond3A_38 = arith.constant 0 : i32
    %cond3A_39 = arith.cmpi ne, %convert_element_type3A_37, %cond3A_38 : i32
    scf.if %cond3A_39 {
      %dma_start3A_333 = arith.constant 2800 : i32
      %dma_start3A_334 = arith.constant 0 : i32
      %dma_start3A_335 = tpu.memref_slice %arg7[%dma_start3A_333, %dma_start3A_334] : memref<10000x128xf32, #tpu.memory_space<vmem_shared>> -> memref<400x128xf32, #tpu.memory_space<vmem_shared>>
      %dma_start3A_336 = arith.constant 2800 : i32
      %dma_start3A_337 = arith.constant 0 : i32
      %dma_start3A_338 = tpu.memref_slice %arg2[%dma_start3A_336, %dma_start3A_337] : memref<10000x128xf32, #tpu.memory_space<hbm>> -> memref<400x128xf32, #tpu.memory_space<hbm>>
      tpu.enqueue_dma source(%dma_start3A_338 : memref<400x128xf32, #tpu.memory_space<hbm>>) target(%dma_start3A_335 : memref<400x128xf32, #tpu.memory_space<vmem_shared>>) target_semaphore(%arg12 : memref<!tpu.dma_semaphore, #tpu.memory_space<semaphore_mem>>)
    } else {
    }
    %eq3A_40 = arith.constant 8 : i32
    %eq3A_41 = arith.cmpi eq, %arg1, %eq3A_40 : i32
    %convert_element_type3A_42 = arith.extui %eq3A_41 : i1 to i32
    %cond3A_43 = arith.constant 0 : i32
    %cond3A_44 = arith.cmpi ne, %convert_element_type3A_42, %cond3A_43 : i32
    scf.if %cond3A_44 {
      %dma_start3A_333 = arith.constant 3200 : i32
      %dma_start3A_334 = arith.constant 0 : i32
      %dma_start3A_335 = tpu.memref_slice %arg7[%dma_start3A_333, %dma_start3A_334] : memref<10000x128xf32, #tpu.memory_space<vmem_shared>> -> memref<400x128xf32, #tpu.memory_space<vmem_shared>>
      %dma_start3A_336 = arith.constant 3200 : i32
      %dma_start3A_337 = arith.constant 0 : i32
      %dma_start3A_338 = tpu.memref_slice %arg2[%dma_start3A_336, %dma_start3A_337] : memref<10000x128xf32, #tpu.memory_space<hbm>> -> memref<400x128xf32, #tpu.memory_space<hbm>>
      tpu.enqueue_dma source(%dma_start3A_338 : memref<400x128xf32, #tpu.memory_space<hbm>>) target(%dma_start3A_335 : memref<400x128xf32, #tpu.memory_space<vmem_shared>>) target_semaphore(%arg12 : memref<!tpu.dma_semaphore, #tpu.memory_space<semaphore_mem>>)
    } else {
    }
    %eq3A_45 = arith.constant 9 : i32
    %eq3A_46 = arith.cmpi eq, %arg1, %eq3A_45 : i32
    %convert_element_type3A_47 = arith.extui %eq3A_46 : i1 to i32
    %cond3A_48 = arith.constant 0 : i32
    %cond3A_49 = arith.cmpi ne, %convert_element_type3A_47, %cond3A_48 : i32
    scf.if %cond3A_49 {
      %dma_start3A_333 = arith.constant 3600 : i32
      %dma_start3A_334 = arith.constant 0 : i32
      %dma_start3A_335 = tpu.memref_slice %arg7[%dma_start3A_333, %dma_start3A_334] : memref<10000x128xf32, #tpu.memory_space<vmem_shared>> -> memref<400x128xf32, #tpu.memory_space<vmem_shared>>
      %dma_start3A_336 = arith.constant 3600 : i32
      %dma_start3A_337 = arith.constant 0 : i32
      %dma_start3A_338 = tpu.memref_slice %arg2[%dma_start3A_336, %dma_start3A_337] : memref<10000x128xf32, #tpu.memory_space<hbm>> -> memref<400x128xf32, #tpu.memory_space<hbm>>
      tpu.enqueue_dma source(%dma_start3A_338 : memref<400x128xf32, #tpu.memory_space<hbm>>) target(%dma_start3A_335 : memref<400x128xf32, #tpu.memory_space<vmem_shared>>) target_semaphore(%arg12 : memref<!tpu.dma_semaphore, #tpu.memory_space<semaphore_mem>>)
    } else {
    }
    %eq3A_50 = arith.constant 10 : i32
    %eq3A_51 = arith.cmpi eq, %arg1, %eq3A_50 : i32
    %convert_element_type3A_52 = arith.extui %eq3A_51 : i1 to i32
    %cond3A_53 = arith.constant 0 : i32
    %cond3A_54 = arith.cmpi ne, %convert_element_type3A_52, %cond3A_53 : i32
    scf.if %cond3A_54 {
      %dma_start3A_333 = arith.constant 4000 : i32
      %dma_start3A_334 = arith.constant 0 : i32
      %dma_start3A_335 = tpu.memref_slice %arg7[%dma_start3A_333, %dma_start3A_334] : memref<10000x128xf32, #tpu.memory_space<vmem_shared>> -> memref<400x128xf32, #tpu.memory_space<vmem_shared>>
      %dma_start3A_336 = arith.constant 4000 : i32
      %dma_start3A_337 = arith.constant 0 : i32
      %dma_start3A_338 = tpu.memref_slice %arg2[%dma_start3A_336, %dma_start3A_337] : memref<10000x128xf32, #tpu.memory_space<hbm>> -> memref<400x128xf32, #tpu.memory_space<hbm>>
      tpu.enqueue_dma source(%dma_start3A_338 : memref<400x128xf32, #tpu.memory_space<hbm>>) target(%dma_start3A_335 : memref<400x128xf32, #tpu.memory_space<vmem_shared>>) target_semaphore(%arg12 : memref<!tpu.dma_semaphore, #tpu.memory_space<semaphore_mem>>)
    } else {
    }
    %eq3A_55 = arith.constant 11 : i32
    %eq3A_56 = arith.cmpi eq, %arg1, %eq3A_55 : i32
    %convert_element_type3A_57 = arith.extui %eq3A_56 : i1 to i32
    %cond3A_58 = arith.constant 0 : i32
    %cond3A_59 = arith.cmpi ne, %convert_element_type3A_57, %cond3A_58 : i32
    scf.if %cond3A_59 {
      %dma_start3A_333 = arith.constant 4400 : i32
      %dma_start3A_334 = arith.constant 0 : i32
      %dma_start3A_335 = tpu.memref_slice %arg7[%dma_start3A_333, %dma_start3A_334] : memref<10000x128xf32, #tpu.memory_space<vmem_shared>> -> memref<400x128xf32, #tpu.memory_space<vmem_shared>>
      %dma_start3A_336 = arith.constant 4400 : i32
      %dma_start3A_337 = arith.constant 0 : i32
      %dma_start3A_338 = tpu.memref_slice %arg2[%dma_start3A_336, %dma_start3A_337] : memref<10000x128xf32, #tpu.memory_space<hbm>> -> memref<400x128xf32, #tpu.memory_space<hbm>>
      tpu.enqueue_dma source(%dma_start3A_338 : memref<400x128xf32, #tpu.memory_space<hbm>>) target(%dma_start3A_335 : memref<400x128xf32, #tpu.memory_space<vmem_shared>>) target_semaphore(%arg12 : memref<!tpu.dma_semaphore, #tpu.memory_space<semaphore_mem>>)
    } else {
    }
    %eq3A_60 = arith.constant 12 : i32
    %eq3A_61 = arith.cmpi eq, %arg1, %eq3A_60 : i32
    %convert_element_type3A_62 = arith.extui %eq3A_61 : i1 to i32
    %cond3A_63 = arith.constant 0 : i32
    %cond3A_64 = arith.cmpi ne, %convert_element_type3A_62, %cond3A_63 : i32
    scf.if %cond3A_64 {
      %dma_start3A_333 = arith.constant 4800 : i32
      %dma_start3A_334 = arith.constant 0 : i32
      %dma_start3A_335 = tpu.memref_slice %arg7[%dma_start3A_333, %dma_start3A_334] : memref<10000x128xf32, #tpu.memory_space<vmem_shared>> -> memref<400x128xf32, #tpu.memory_space<vmem_shared>>
      %dma_start3A_336 = arith.constant 4800 : i32
      %dma_start3A_337 = arith.constant 0 : i32
      %dma_start3A_338 = tpu.memref_slice %arg2[%dma_start3A_336, %dma_start3A_337] : memref<10000x128xf32, #tpu.memory_space<hbm>> -> memref<400x128xf32, #tpu.memory_space<hbm>>
      tpu.enqueue_dma source(%dma_start3A_338 : memref<400x128xf32, #tpu.memory_space<hbm>>) target(%dma_start3A_335 : memref<400x128xf32, #tpu.memory_space<vmem_shared>>) target_semaphore(%arg12 : memref<!tpu.dma_semaphore, #tpu.memory_space<semaphore_mem>>)
    } else {
    }
    %eq3A_65 = arith.constant 13 : i32
    %eq3A_66 = arith.cmpi eq, %arg1, %eq3A_65 : i32
    %convert_element_type3A_67 = arith.extui %eq3A_66 : i1 to i32
    %cond3A_68 = arith.constant 0 : i32
    %cond3A_69 = arith.cmpi ne, %convert_element_type3A_67, %cond3A_68 : i32
    scf.if %cond3A_69 {
      %dma_start3A_333 = arith.constant 5200 : i32
      %dma_start3A_334 = arith.constant 0 : i32
      %dma_start3A_335 = tpu.memref_slice %arg7[%dma_start3A_333, %dma_start3A_334] : memref<10000x128xf32, #tpu.memory_space<vmem_shared>> -> memref<400x128xf32, #tpu.memory_space<vmem_shared>>
      %dma_start3A_336 = arith.constant 5200 : i32
      %dma_start3A_337 = arith.constant 0 : i32
      %dma_start3A_338 = tpu.memref_slice %arg2[%dma_start3A_336, %dma_start3A_337] : memref<10000x128xf32, #tpu.memory_space<hbm>> -> memref<400x128xf32, #tpu.memory_space<hbm>>
      tpu.enqueue_dma source(%dma_start3A_338 : memref<400x128xf32, #tpu.memory_space<hbm>>) target(%dma_start3A_335 : memref<400x128xf32, #tpu.memory_space<vmem_shared>>) target_semaphore(%arg12 : memref<!tpu.dma_semaphore, #tpu.memory_space<semaphore_mem>>)
    } else {
    }
    %eq3A_70 = arith.constant 14 : i32
    %eq3A_71 = arith.cmpi eq, %arg1, %eq3A_70 : i32
    %convert_element_type3A_72 = arith.extui %eq3A_71 : i1 to i32
    %cond3A_73 = arith.constant 0 : i32
    %cond3A_74 = arith.cmpi ne, %convert_element_type3A_72, %cond3A_73 : i32
    scf.if %cond3A_74 {
      %dma_start3A_333 = arith.constant 5600 : i32
      %dma_start3A_334 = arith.constant 0 : i32
      %dma_start3A_335 = tpu.memref_slice %arg7[%dma_start3A_333, %dma_start3A_334] : memref<10000x128xf32, #tpu.memory_space<vmem_shared>> -> memref<400x128xf32, #tpu.memory_space<vmem_shared>>
      %dma_start3A_336 = arith.constant 5600 : i32
      %dma_start3A_337 = arith.constant 0 : i32
      %dma_start3A_338 = tpu.memref_slice %arg2[%dma_start3A_336, %dma_start3A_337] : memref<10000x128xf32, #tpu.memory_space<hbm>> -> memref<400x128xf32, #tpu.memory_space<hbm>>
      tpu.enqueue_dma source(%dma_start3A_338 : memref<400x128xf32, #tpu.memory_space<hbm>>) target(%dma_start3A_335 : memref<400x128xf32, #tpu.memory_space<vmem_shared>>) target_semaphore(%arg12 : memref<!tpu.dma_semaphore, #tpu.memory_space<semaphore_mem>>)
    } else {
    }
    %eq3A_75 = arith.constant 15 : i32
    %eq3A_76 = arith.cmpi eq, %arg1, %eq3A_75 : i32
    %convert_element_type3A_77 = arith.extui %eq3A_76 : i1 to i32
    %cond3A_78 = arith.constant 0 : i32
    %cond3A_79 = arith.cmpi ne, %convert_element_type3A_77, %cond3A_78 : i32
    scf.if %cond3A_79 {
      %dma_start3A_333 = arith.constant 6000 : i32
      %dma_start3A_334 = arith.constant 0 : i32
      %dma_start3A_335 = tpu.memref_slice %arg7[%dma_start3A_333, %dma_start3A_334] : memref<10000x128xf32, #tpu.memory_space<vmem_shared>> -> memref<400x128xf32, #tpu.memory_space<vmem_shared>>
      %dma_start3A_336 = arith.constant 6000 : i32
      %dma_start3A_337 = arith.constant 0 : i32
      %dma_start3A_338 = tpu.memref_slice %arg2[%dma_start3A_336, %dma_start3A_337] : memref<10000x128xf32, #tpu.memory_space<hbm>> -> memref<400x128xf32, #tpu.memory_space<hbm>>
      tpu.enqueue_dma source(%dma_start3A_338 : memref<400x128xf32, #tpu.memory_space<hbm>>) target(%dma_start3A_335 : memref<400x128xf32, #tpu.memory_space<vmem_shared>>) target_semaphore(%arg12 : memref<!tpu.dma_semaphore, #tpu.memory_space<semaphore_mem>>)
    } else {
    }
    %eq3A_80 = arith.constant 0 : i32
    %eq3A_81 = arith.cmpi eq, %arg1, %eq3A_80 : i32
    %convert_element_type3A_82 = arith.extui %eq3A_81 : i1 to i32
    %cond3A_83 = arith.constant 0 : i32
    %cond3A_84 = arith.cmpi ne, %convert_element_type3A_82, %cond3A_83 : i32
    scf.if %cond3A_84 {
      %dma_start3A_333 = arith.constant 6400 : i32
      %dma_start3A_334 = arith.constant 0 : i32
      %dma_start3A_335 = tpu.memref_slice %arg7[%dma_start3A_333, %dma_start3A_334] : memref<10000x128xf32, #tpu.memory_space<vmem_shared>> -> memref<400x128xf32, #tpu.memory_space<vmem_shared>>
      %dma_start3A_336 = arith.constant 6400 : i32
      %dma_start3A_337 = arith.constant 0 : i32
      %dma_start3A_338 = tpu.memref_slice %arg2[%dma_start3A_336, %dma_start3A_337] : memref<10000x128xf32, #tpu.memory_space<hbm>> -> memref<400x128xf32, #tpu.memory_space<hbm>>
      tpu.enqueue_dma source(%dma_start3A_338 : memref<400x128xf32, #tpu.memory_space<hbm>>) target(%dma_start3A_335 : memref<400x128xf32, #tpu.memory_space<vmem_shared>>) target_semaphore(%arg12 : memref<!tpu.dma_semaphore, #tpu.memory_space<semaphore_mem>>)
    } else {
    }
    %eq3A_85 = arith.constant 1 : i32
    %eq3A_86 = arith.cmpi eq, %arg1, %eq3A_85 : i32
    %convert_element_type3A_87 = arith.extui %eq3A_86 : i1 to i32
    %cond3A_88 = arith.constant 0 : i32
    %cond3A_89 = arith.cmpi ne, %convert_element_type3A_87, %cond3A_88 : i32
    scf.if %cond3A_89 {
      %dma_start3A_333 = arith.constant 6800 : i32
      %dma_start3A_334 = arith.constant 0 : i32
      %dma_start3A_335 = tpu.memref_slice %arg7[%dma_start3A_333, %dma_start3A_334] : memref<10000x128xf32, #tpu.memory_space<vmem_shared>> -> memref<400x128xf32, #tpu.memory_space<vmem_shared>>
      %dma_start3A_336 = arith.constant 6800 : i32
      %dma_start3A_337 = arith.constant 0 : i32
      %dma_start3A_338 = tpu.memref_slice %arg2[%dma_start3A_336, %dma_start3A_337] : memref<10000x128xf32, #tpu.memory_space<hbm>> -> memref<400x128xf32, #tpu.memory_space<hbm>>
      tpu.enqueue_dma source(%dma_start3A_338 : memref<400x128xf32, #tpu.memory_space<hbm>>) target(%dma_start3A_335 : memref<400x128xf32, #tpu.memory_space<vmem_shared>>) target_semaphore(%arg12 : memref<!tpu.dma_semaphore, #tpu.memory_space<semaphore_mem>>)
    } else {
    }
    %eq3A_90 = arith.constant 2 : i32
    %eq3A_91 = arith.cmpi eq, %arg1, %eq3A_90 : i32
    %convert_element_type3A_92 = arith.extui %eq3A_91 : i1 to i32
    %cond3A_93 = arith.constant 0 : i32
    %cond3A_94 = arith.cmpi ne, %convert_element_type3A_92, %cond3A_93 : i32
    scf.if %cond3A_94 {
      %dma_start3A_333 = arith.constant 7200 : i32
      %dma_start3A_334 = arith.constant 0 : i32
      %dma_start3A_335 = tpu.memref_slice %arg7[%dma_start3A_333, %dma_start3A_334] : memref<10000x128xf32, #tpu.memory_space<vmem_shared>> -> memref<400x128xf32, #tpu.memory_space<vmem_shared>>
      %dma_start3A_336 = arith.constant 7200 : i32
      %dma_start3A_337 = arith.constant 0 : i32
      %dma_start3A_338 = tpu.memref_slice %arg2[%dma_start3A_336, %dma_start3A_337] : memref<10000x128xf32, #tpu.memory_space<hbm>> -> memref<400x128xf32, #tpu.memory_space<hbm>>
      tpu.enqueue_dma source(%dma_start3A_338 : memref<400x128xf32, #tpu.memory_space<hbm>>) target(%dma_start3A_335 : memref<400x128xf32, #tpu.memory_space<vmem_shared>>) target_semaphore(%arg12 : memref<!tpu.dma_semaphore, #tpu.memory_space<semaphore_mem>>)
    } else {
    }
    %eq3A_95 = arith.constant 3 : i32
    %eq3A_96 = arith.cmpi eq, %arg1, %eq3A_95 : i32
    %convert_element_type3A_97 = arith.extui %eq3A_96 : i1 to i32
    %cond3A_98 = arith.constant 0 : i32
    %cond3A_99 = arith.cmpi ne, %convert_element_type3A_97, %cond3A_98 : i32
    scf.if %cond3A_99 {
      %dma_start3A_333 = arith.constant 7600 : i32
      %dma_start3A_334 = arith.constant 0 : i32
      %dma_start3A_335 = tpu.memref_slice %arg7[%dma_start3A_333, %dma_start3A_334] : memref<10000x128xf32, #tpu.memory_space<vmem_shared>> -> memref<400x128xf32, #tpu.memory_space<vmem_shared>>
      %dma_start3A_336 = arith.constant 7600 : i32
      %dma_start3A_337 = arith.constant 0 : i32
      %dma_start3A_338 = tpu.memref_slice %arg2[%dma_start3A_336, %dma_start3A_337] : memref<10000x128xf32, #tpu.memory_space<hbm>> -> memref<400x128xf32, #tpu.memory_space<hbm>>
      tpu.enqueue_dma source(%dma_start3A_338 : memref<400x128xf32, #tpu.memory_space<hbm>>) target(%dma_start3A_335 : memref<400x128xf32, #tpu.memory_space<vmem_shared>>) target_semaphore(%arg12 : memref<!tpu.dma_semaphore, #tpu.memory_space<semaphore_mem>>)
    } else {
    }
    %eq3A_100 = arith.constant 4 : i32
    %eq3A_101 = arith.cmpi eq, %arg1, %eq3A_100 : i32
    %convert_element_type3A_102 = arith.extui %eq3A_101 : i1 to i32
    %cond3A_103 = arith.constant 0 : i32
    %cond3A_104 = arith.cmpi ne, %convert_element_type3A_102, %cond3A_103 : i32
    scf.if %cond3A_104 {
      %dma_start3A_333 = arith.constant 8000 : i32
      %dma_start3A_334 = arith.constant 0 : i32
      %dma_start3A_335 = tpu.memref_slice %arg7[%dma_start3A_333, %dma_start3A_334] : memref<10000x128xf32, #tpu.memory_space<vmem_shared>> -> memref<400x128xf32, #tpu.memory_space<vmem_shared>>
      %dma_start3A_336 = arith.constant 8000 : i32
      %dma_start3A_337 = arith.constant 0 : i32
      %dma_start3A_338 = tpu.memref_slice %arg2[%dma_start3A_336, %dma_start3A_337] : memref<10000x128xf32, #tpu.memory_space<hbm>> -> memref<400x128xf32, #tpu.memory_space<hbm>>
      tpu.enqueue_dma source(%dma_start3A_338 : memref<400x128xf32, #tpu.memory_space<hbm>>) target(%dma_start3A_335 : memref<400x128xf32, #tpu.memory_space<vmem_shared>>) target_semaphore(%arg12 : memref<!tpu.dma_semaphore, #tpu.memory_space<semaphore_mem>>)
    } else {
    }
    %eq3A_105 = arith.constant 5 : i32
    %eq3A_106 = arith.cmpi eq, %arg1, %eq3A_105 : i32
    %convert_element_type3A_107 = arith.extui %eq3A_106 : i1 to i32
    %cond3A_108 = arith.constant 0 : i32
    %cond3A_109 = arith.cmpi ne, %convert_element_type3A_107, %cond3A_108 : i32
    scf.if %cond3A_109 {
      %dma_start3A_333 = arith.constant 8400 : i32
      %dma_start3A_334 = arith.constant 0 : i32
      %dma_start3A_335 = tpu.memref_slice %arg7[%dma_start3A_333, %dma_start3A_334] : memref<10000x128xf32, #tpu.memory_space<vmem_shared>> -> memref<400x128xf32, #tpu.memory_space<vmem_shared>>
      %dma_start3A_336 = arith.constant 8400 : i32
      %dma_start3A_337 = arith.constant 0 : i32
      %dma_start3A_338 = tpu.memref_slice %arg2[%dma_start3A_336, %dma_start3A_337] : memref<10000x128xf32, #tpu.memory_space<hbm>> -> memref<400x128xf32, #tpu.memory_space<hbm>>
      tpu.enqueue_dma source(%dma_start3A_338 : memref<400x128xf32, #tpu.memory_space<hbm>>) target(%dma_start3A_335 : memref<400x128xf32, #tpu.memory_space<vmem_shared>>) target_semaphore(%arg12 : memref<!tpu.dma_semaphore, #tpu.memory_space<semaphore_mem>>)
    } else {
    }
    %eq3A_110 = arith.constant 6 : i32
    %eq3A_111 = arith.cmpi eq, %arg1, %eq3A_110 : i32
    %convert_element_type3A_112 = arith.extui %eq3A_111 : i1 to i32
    %cond3A_113 = arith.constant 0 : i32
    %cond3A_114 = arith.cmpi ne, %convert_element_type3A_112, %cond3A_113 : i32
    scf.if %cond3A_114 {
      %dma_start3A_333 = arith.constant 8800 : i32
      %dma_start3A_334 = arith.constant 0 : i32
      %dma_start3A_335 = tpu.memref_slice %arg7[%dma_start3A_333, %dma_start3A_334] : memref<10000x128xf32, #tpu.memory_space<vmem_shared>> -> memref<400x128xf32, #tpu.memory_space<vmem_shared>>
      %dma_start3A_336 = arith.constant 8800 : i32
      %dma_start3A_337 = arith.constant 0 : i32
      %dma_start3A_338 = tpu.memref_slice %arg2[%dma_start3A_336, %dma_start3A_337] : memref<10000x128xf32, #tpu.memory_space<hbm>> -> memref<400x128xf32, #tpu.memory_space<hbm>>
      tpu.enqueue_dma source(%dma_start3A_338 : memref<400x128xf32, #tpu.memory_space<hbm>>) target(%dma_start3A_335 : memref<400x128xf32, #tpu.memory_space<vmem_shared>>) target_semaphore(%arg12 : memref<!tpu.dma_semaphore, #tpu.memory_space<semaphore_mem>>)
    } else {
    }
    %eq3A_115 = arith.constant 7 : i32
    %eq3A_116 = arith.cmpi eq, %arg1, %eq3A_115 : i32
    %convert_element_type3A_117 = arith.extui %eq3A_116 : i1 to i32
    %cond3A_118 = arith.constant 0 : i32
    %cond3A_119 = arith.cmpi ne, %convert_element_type3A_117, %cond3A_118 : i32
    scf.if %cond3A_119 {
      %dma_start3A_333 = arith.constant 9200 : i32
      %dma_start3A_334 = arith.constant 0 : i32
      %dma_start3A_335 = tpu.memref_slice %arg7[%dma_start3A_333, %dma_start3A_334] : memref<10000x128xf32, #tpu.memory_space<vmem_shared>> -> memref<400x128xf32, #tpu.memory_space<vmem_shared>>
      %dma_start3A_336 = arith.constant 9200 : i32
      %dma_start3A_337 = arith.constant 0 : i32
      %dma_start3A_338 = tpu.memref_slice %arg2[%dma_start3A_336, %dma_start3A_337] : memref<10000x128xf32, #tpu.memory_space<hbm>> -> memref<400x128xf32, #tpu.memory_space<hbm>>
      tpu.enqueue_dma source(%dma_start3A_338 : memref<400x128xf32, #tpu.memory_space<hbm>>) target(%dma_start3A_335 : memref<400x128xf32, #tpu.memory_space<vmem_shared>>) target_semaphore(%arg12 : memref<!tpu.dma_semaphore, #tpu.memory_space<semaphore_mem>>)
    } else {
    }
    %eq3A_120 = arith.constant 8 : i32
    %eq3A_121 = arith.cmpi eq, %arg1, %eq3A_120 : i32
    %convert_element_type3A_122 = arith.extui %eq3A_121 : i1 to i32
    %cond3A_123 = arith.constant 0 : i32
    %cond3A_124 = arith.cmpi ne, %convert_element_type3A_122, %cond3A_123 : i32
    scf.if %cond3A_124 {
      %dma_start3A_333 = arith.constant 9600 : i32
      %dma_start3A_334 = arith.constant 0 : i32
      %dma_start3A_335 = tpu.memref_slice %arg7[%dma_start3A_333, %dma_start3A_334] : memref<10000x128xf32, #tpu.memory_space<vmem_shared>> -> memref<400x128xf32, #tpu.memory_space<vmem_shared>>
      %dma_start3A_336 = arith.constant 9600 : i32
      %dma_start3A_337 = arith.constant 0 : i32
      %dma_start3A_338 = tpu.memref_slice %arg2[%dma_start3A_336, %dma_start3A_337] : memref<10000x128xf32, #tpu.memory_space<hbm>> -> memref<400x128xf32, #tpu.memory_space<hbm>>
      tpu.enqueue_dma source(%dma_start3A_338 : memref<400x128xf32, #tpu.memory_space<hbm>>) target(%dma_start3A_335 : memref<400x128xf32, #tpu.memory_space<vmem_shared>>) target_semaphore(%arg12 : memref<!tpu.dma_semaphore, #tpu.memory_space<semaphore_mem>>)
    } else {
    }
    "tpu.region"() ({
      %run_scoped3A = tpu.sem_alloc : memref<!tpu.dma_semaphore, #tpu.memory_space<semaphore_mem>>
      %dma_start3A_333 = arith.constant 0 : i32
      %dma_start3A_334 = arith.constant 0 : i32
      %dma_start3A_335 = tpu.memref_slice %arg3[%add3A, %dma_start3A_333, %dma_start3A_334] : memref<32x125x80xi32, #tpu.memory_space<hbm>> -> memref<1x125x80xi32, #tpu.memory_space<hbm>>
      %dma_start3A_336 = tpu.memref_squeeze %dma_start3A_335 : memref<1x125x80xi32, #tpu.memory_space<hbm>> -> memref<125x80xi32, #tpu.memory_space<hbm>>
      %dma_start3A_337 = arith.constant 0 : i32
      %dma_start3A_338 = arith.constant 0 : i32
      %dma_start3A_339 = tpu.memref_slice %arg3[%add3A, %dma_start3A_337, %dma_start3A_338] : memref<32x125x80xi32, #tpu.memory_space<hbm>> -> memref<1x125x80xi32, #tpu.memory_space<hbm>>
      %dma_start3A_340 = tpu.memref_squeeze %dma_start3A_339 : memref<1x125x80xi32, #tpu.memory_space<hbm>> -> memref<125x80xi32, #tpu.memory_space<hbm>>
      tpu.enqueue_dma source(%dma_start3A_340 : memref<125x80xi32, #tpu.memory_space<hbm>>) target(%arg5 : memref<125x80xi32, #tpu.memory_space<vmem>>) target_semaphore(%run_scoped3A : memref<!tpu.dma_semaphore, #tpu.memory_space<semaphore_mem>>)
      %dma_wait3A = arith.constant 0 : i32
      %dma_wait3A_341 = arith.constant 0 : i32
      %dma_wait3A_342 = tpu.memref_slice %arg3[%add3A, %dma_wait3A, %dma_wait3A_341] : memref<32x125x80xi32, #tpu.memory_space<hbm>> -> memref<1x125x80xi32, #tpu.memory_space<hbm>>
      %dma_wait3A_343 = tpu.memref_squeeze %dma_wait3A_342 : memref<1x125x80xi32, #tpu.memory_space<hbm>> -> memref<125x80xi32, #tpu.memory_space<hbm>>
      %dma_wait3A_344 = arith.constant 0 : i32
      %dma_wait3A_345 = arith.constant 0 : i32
      %dma_wait3A_346 = tpu.memref_slice %arg3[%add3A, %dma_wait3A_344, %dma_wait3A_345] : memref<32x125x80xi32, #tpu.memory_space<hbm>> -> memref<1x125x80xi32, #tpu.memory_space<hbm>>
      %dma_wait3A_347 = tpu.memref_squeeze %dma_wait3A_346 : memref<1x125x80xi32, #tpu.memory_space<hbm>> -> memref<125x80xi32, #tpu.memory_space<hbm>>
      tpu.wait_dma2 semaphore(%run_scoped3A : memref<!tpu.dma_semaphore, #tpu.memory_space<semaphore_mem>>) src(%dma_wait3A_347 : memref<125x80xi32, #tpu.memory_space<hbm>>) dst(%arg5 : memref<125x80xi32, #tpu.memory_space<vmem>>)
      tpu.yield
    }) : () -> ()
    %dma_start3A = arith.constant 0 : i32
    %dma_start3A_125 = arith.constant 0 : i32
    %dma_start3A_126 = arith.constant 0 : i32
    %dma_start3A_127 = arith.constant 0 : i32
    %dma_start3A_128 = tpu.memref_slice %arg6[%dma_start3A_125, %dma_start3A_126, %dma_start3A_127] : memref<2x80x128xf32, #tpu.memory_space<vmem>> -> memref<1x80x128xf32, #tpu.memory_space<vmem>>
    %dma_start3A_129 = tpu.memref_squeeze %dma_start3A_128 : memref<1x80x128xf32, #tpu.memory_space<vmem>> -> memref<80x128xf32, #tpu.memory_space<vmem>>
    %dma_start3A_130 = arith.constant 0 : i32
    %dma_start3A_131 = tpu.memref_slice %arg5[%dma_start3A, %dma_start3A_130] : memref<125x80xi32, #tpu.memory_space<vmem>> -> memref<1x80xi32, #tpu.memory_space<vmem>>
    %dma_start3A_132 = tpu.memref_squeeze %dma_start3A_131 : memref<1x80xi32, #tpu.memory_space<vmem>> -> memref<80xi32, #tpu.memory_space<vmem>>
    %dma_start3A_133 = arith.constant 0 : i32
    %dma_start3A_134 = arith.constant 0 : i32
    %dma_start3A_135 = tpu.memref_slice %arg2[%dma_start3A_133, %dma_start3A_134] : memref<10000x128xf32, #tpu.memory_space<hbm>> -> memref<10000x128xf32, #tpu.memory_space<hbm>>
    tpu.enqueue_indirect_dma source(%dma_start3A_135 : memref<10000x128xf32, #tpu.memory_space<hbm>>) target(%dma_start3A_129 : memref<80x128xf32, #tpu.memory_space<vmem>>) offsets(%dma_start3A_132 : memref<80xi32, #tpu.memory_space<vmem>>) semaphore(%arg8 : memref<!tpu.dma_semaphore, #tpu.memory_space<semaphore_mem>>)
    %scan3A = arith.constant 0 : i32
    %scan3A_136 = arith.constant 0 : i32
    %mul3A_137 = arith.constant 2 : i32
    %mul3A_138 = arith.muli %mul3A_137, %scan3A_136 : i32
    %add3A_139 = arith.constant 0 : i32
    %add3A_140 = arith.addi %mul3A_138, %add3A_139 : i32
    %ge3A = arith.constant 1 : i32
    %ge3A_141 = arith.cmpi sge, %add3A_140, %ge3A : i32
    %convert_element_type3A_142 = arith.extui %ge3A_141 : i1 to i32
    %cond3A_143 = arith.constant 0 : i32
    %cond3A_144 = arith.cmpi ne, %convert_element_type3A_142, %cond3A_143 : i32
    scf.if %cond3A_144 {
      %dma_wait3A = arith.constant 1 : i32
      %dma_wait3A_333 = arith.constant 0 : i32
      %dma_wait3A_334 = arith.constant 0 : i32
      %dma_wait3A_335 = tpu.memref_slice %arg6[%dma_wait3A, %dma_wait3A_333, %dma_wait3A_334] : memref<2x80x128xf32, #tpu.memory_space<vmem>> -> memref<1x80x128xf32, #tpu.memory_space<vmem>>
      %dma_wait3A_336 = tpu.memref_squeeze %dma_wait3A_335 : memref<1x80x128xf32, #tpu.memory_space<vmem>> -> memref<80x128xf32, #tpu.memory_space<vmem>>
      %dma_wait3A_337 = arith.constant 0 : i32
      %dma_wait3A_338 = tpu.memref_slice %arg4[%mul3A_2, %dma_wait3A_337] : memref<320000x128xf32, #tpu.memory_space<hbm>> -> memref<80x128xf32, #tpu.memory_space<hbm>>
      %dma_wait3A_339 = arith.constant 0 : i32
      %dma_wait3A_340 = tpu.memref_slice %arg4[%mul3A_2, %dma_wait3A_339] : memref<320000x128xf32, #tpu.memory_space<hbm>> -> memref<80x128xf32, #tpu.memory_space<hbm>>
      %dma_wait3A_341 = arith.constant 0 : i32
      %dma_wait3A_342 = arith.constant 0 : i32
      %dma_wait3A_343 = tpu.memref_slice %arg6[%dma_wait3A, %dma_wait3A_341, %dma_wait3A_342] : memref<2x80x128xf32, #tpu.memory_space<vmem>> -> memref<1x80x128xf32, #tpu.memory_space<vmem>>
      %dma_wait3A_344 = tpu.memref_squeeze %dma_wait3A_343 : memref<1x80x128xf32, #tpu.memory_space<vmem>> -> memref<80x128xf32, #tpu.memory_space<vmem>>
      tpu.wait_dma2 semaphore(%arg11 : memref<!tpu.dma_semaphore, #tpu.memory_space<semaphore_mem>>) src(%dma_wait3A_344 : memref<80x128xf32, #tpu.memory_space<vmem>>) dst(%dma_wait3A_340 : memref<80x128xf32, #tpu.memory_space<hbm>>)
    } else {
    }
    %add3A_145 = arith.constant 1 : i32
    %add3A_146 = arith.addi %add3A_140, %add3A_145 : i32
    %lt3A = arith.constant 2 : i32
    %lt3A_147 = arith.cmpi slt, %add3A_146, %lt3A : i32
    %convert_element_type3A_148 = arith.extui %lt3A_147 : i1 to i32
    %cond3A_149 = arith.constant 0 : i32
    %cond3A_150 = arith.cmpi ne, %convert_element_type3A_148, %cond3A_149 : i32
    scf.if %cond3A_150 {
      %add3A_333 = arith.constant 1 : i32
      %add3A_334 = arith.addi %add3A_140, %add3A_333 : i32
      %dma_start3A_335 = arith.constant 1 : i32
      %dma_start3A_336 = arith.constant 0 : i32
      %dma_start3A_337 = arith.constant 0 : i32
      %dma_start3A_338 = tpu.memref_slice %arg6[%dma_start3A_335, %dma_start3A_336, %dma_start3A_337] : memref<2x80x128xf32, #tpu.memory_space<vmem>> -> memref<1x80x128xf32, #tpu.memory_space<vmem>>
      %dma_start3A_339 = tpu.memref_squeeze %dma_start3A_338 : memref<1x80x128xf32, #tpu.memory_space<vmem>> -> memref<80x128xf32, #tpu.memory_space<vmem>>
      %dma_start3A_340 = arith.constant 0 : i32
      %dma_start3A_341 = tpu.memref_slice %arg5[%add3A_334, %dma_start3A_340] : memref<125x80xi32, #tpu.memory_space<vmem>> -> memref<1x80xi32, #tpu.memory_space<vmem>>
      %dma_start3A_342 = tpu.memref_squeeze %dma_start3A_341 : memref<1x80xi32, #tpu.memory_space<vmem>> -> memref<80xi32, #tpu.memory_space<vmem>>
      %dma_start3A_343 = arith.constant 0 : i32
      %dma_start3A_344 = arith.constant 0 : i32
      %dma_start3A_345 = tpu.memref_slice %arg2[%dma_start3A_343, %dma_start3A_344] : memref<10000x128xf32, #tpu.memory_space<hbm>> -> memref<10000x128xf32, #tpu.memory_space<hbm>>
      tpu.enqueue_indirect_dma source(%dma_start3A_345 : memref<10000x128xf32, #tpu.memory_space<hbm>>) target(%dma_start3A_339 : memref<80x128xf32, #tpu.memory_space<vmem>>) offsets(%dma_start3A_342 : memref<80xi32, #tpu.memory_space<vmem>>) semaphore(%arg9 : memref<!tpu.dma_semaphore, #tpu.memory_space<semaphore_mem>>)
    } else {
    }
    %lt3A_151 = arith.constant 125 : i32
    %lt3A_152 = arith.cmpi slt, %add3A_140, %lt3A_151 : i32
    %convert_element_type3A_153 = arith.extui %lt3A_152 : i1 to i32
    %cond3A_154 = arith.constant 0 : i32
    %cond3A_155 = arith.cmpi ne, %convert_element_type3A_153, %cond3A_154 : i32
    scf.if %cond3A_155 {
      %dma_wait3A = arith.constant 0 : i32
      %dma_wait3A_333 = arith.constant 0 : i32
      %dma_wait3A_334 = arith.constant 0 : i32
      %dma_wait3A_335 = tpu.memref_slice %arg6[%dma_wait3A, %dma_wait3A_333, %dma_wait3A_334] : memref<2x80x128xf32, #tpu.memory_space<vmem>> -> memref<1x80x128xf32, #tpu.memory_space<vmem>>
      %dma_wait3A_336 = tpu.memref_squeeze %dma_wait3A_335 : memref<1x80x128xf32, #tpu.memory_space<vmem>> -> memref<80x128xf32, #tpu.memory_space<vmem>>
      %dma_wait3A_337 = arith.constant 0 : i32
      %dma_wait3A_338 = arith.constant 0 : i32
      %dma_wait3A_339 = tpu.memref_slice %arg2[%dma_wait3A_337, %dma_wait3A_338] : memref<10000x128xf32, #tpu.memory_space<hbm>> -> memref<80x128xf32, #tpu.memory_space<hbm>>
      %dma_wait3A_340 = arith.constant 0 : i32
      %dma_wait3A_341 = arith.constant 0 : i32
      %dma_wait3A_342 = tpu.memref_slice %arg6[%dma_wait3A, %dma_wait3A_340, %dma_wait3A_341] : memref<2x80x128xf32, #tpu.memory_space<vmem>> -> memref<1x80x128xf32, #tpu.memory_space<vmem>>
      %dma_wait3A_343 = tpu.memref_squeeze %dma_wait3A_342 : memref<1x80x128xf32, #tpu.memory_space<vmem>> -> memref<80x128xf32, #tpu.memory_space<vmem>>
      %dma_wait3A_344 = arith.constant 0 : i32
      %dma_wait3A_345 = arith.constant 0 : i32
      %dma_wait3A_346 = tpu.memref_slice %arg2[%dma_wait3A_344, %dma_wait3A_345] : memref<10000x128xf32, #tpu.memory_space<hbm>> -> memref<80x128xf32, #tpu.memory_space<hbm>>
      tpu.wait_dma2 semaphore(%arg8 : memref<!tpu.dma_semaphore, #tpu.memory_space<semaphore_mem>>) src(%dma_wait3A_346 : memref<80x128xf32, #tpu.memory_space<hbm>>) dst(%dma_wait3A_343 : memref<80x128xf32, #tpu.memory_space<vmem>>)
    } else {
    }
    %lt3A_156 = arith.constant 125 : i32
    %lt3A_157 = arith.cmpi slt, %add3A_140, %lt3A_156 : i32
    %convert_element_type3A_158 = arith.extui %lt3A_157 : i1 to i32
    %cond3A_159 = arith.constant 0 : i32
    %cond3A_160 = arith.cmpi ne, %convert_element_type3A_158, %cond3A_159 : i32
    scf.if %cond3A_160 {
      %mul3A_333 = arith.constant 80 : i32
      %mul3A_334 = arith.muli %add3A_140, %mul3A_333 : i32
      %add3A_335 = arith.addi %mul3A_2, %mul3A_334 : i32
      %dma_start3A_336 = arith.constant 0 : i32
      %dma_start3A_337 = arith.constant 0 : i32
      %dma_start3A_338 = arith.constant 0 : i32
      %dma_start3A_339 = tpu.memref_slice %arg6[%dma_start3A_336, %dma_start3A_337, %dma_start3A_338] : memref<2x80x128xf32, #tpu.memory_space<vmem>> -> memref<1x80x128xf32, #tpu.memory_space<vmem>>
      %dma_start3A_340 = tpu.memref_squeeze %dma_start3A_339 : memref<1x80x128xf32, #tpu.memory_space<vmem>> -> memref<80x128xf32, #tpu.memory_space<vmem>>
      %dma_start3A_341 = arith.constant 0 : i32
      %dma_start3A_342 = tpu.memref_slice %arg4[%add3A_335, %dma_start3A_341] : memref<320000x128xf32, #tpu.memory_space<hbm>> -> memref<80x128xf32, #tpu.memory_space<hbm>>
      %dma_start3A_343 = arith.constant 0 : i32
      %dma_start3A_344 = tpu.memref_slice %arg4[%add3A_335, %dma_start3A_343] : memref<320000x128xf32, #tpu.memory_space<hbm>> -> memref<80x128xf32, #tpu.memory_space<hbm>>
      %dma_start3A_345 = arith.constant 0 : i32
      %dma_start3A_346 = arith.constant 0 : i32
      %dma_start3A_347 = tpu.memref_slice %arg6[%dma_start3A_336, %dma_start3A_345, %dma_start3A_346] : memref<2x80x128xf32, #tpu.memory_space<vmem>> -> memref<1x80x128xf32, #tpu.memory_space<vmem>>
      %dma_start3A_348 = tpu.memref_squeeze %dma_start3A_347 : memref<1x80x128xf32, #tpu.memory_space<vmem>> -> memref<80x128xf32, #tpu.memory_space<vmem>>
      tpu.enqueue_dma source(%dma_start3A_348 : memref<80x128xf32, #tpu.memory_space<vmem>>) target(%dma_start3A_344 : memref<80x128xf32, #tpu.memory_space<hbm>>) target_semaphore(%arg10 : memref<!tpu.dma_semaphore, #tpu.memory_space<semaphore_mem>>)
    } else {
    }
    %mul3A_161 = arith.constant 2 : i32
    %mul3A_162 = arith.muli %mul3A_161, %scan3A_136 : i32
    %add3A_163 = arith.constant 1 : i32
    %add3A_164 = arith.addi %mul3A_162, %add3A_163 : i32
    %ge3A_165 = arith.constant 1 : i32
    %ge3A_166 = arith.cmpi sge, %add3A_164, %ge3A_165 : i32
    %convert_element_type3A_167 = arith.extui %ge3A_166 : i1 to i32
    %cond3A_168 = arith.constant 0 : i32
    %cond3A_169 = arith.cmpi ne, %convert_element_type3A_167, %cond3A_168 : i32
    scf.if %cond3A_169 {
      %dma_wait3A = arith.constant 0 : i32
      %dma_wait3A_333 = arith.constant 0 : i32
      %dma_wait3A_334 = arith.constant 0 : i32
      %dma_wait3A_335 = tpu.memref_slice %arg6[%dma_wait3A, %dma_wait3A_333, %dma_wait3A_334] : memref<2x80x128xf32, #tpu.memory_space<vmem>> -> memref<1x80x128xf32, #tpu.memory_space<vmem>>
      %dma_wait3A_336 = tpu.memref_squeeze %dma_wait3A_335 : memref<1x80x128xf32, #tpu.memory_space<vmem>> -> memref<80x128xf32, #tpu.memory_space<vmem>>
      %dma_wait3A_337 = arith.constant 0 : i32
      %dma_wait3A_338 = tpu.memref_slice %arg4[%mul3A_2, %dma_wait3A_337] : memref<320000x128xf32, #tpu.memory_space<hbm>> -> memref<80x128xf32, #tpu.memory_space<hbm>>
      %dma_wait3A_339 = arith.constant 0 : i32
      %dma_wait3A_340 = tpu.memref_slice %arg4[%mul3A_2, %dma_wait3A_339] : memref<320000x128xf32, #tpu.memory_space<hbm>> -> memref<80x128xf32, #tpu.memory_space<hbm>>
      %dma_wait3A_341 = arith.constant 0 : i32
      %dma_wait3A_342 = arith.constant 0 : i32
      %dma_wait3A_343 = tpu.memref_slice %arg6[%dma_wait3A, %dma_wait3A_341, %dma_wait3A_342] : memref<2x80x128xf32, #tpu.memory_space<vmem>> -> memref<1x80x128xf32, #tpu.memory_space<vmem>>
      %dma_wait3A_344 = tpu.memref_squeeze %dma_wait3A_343 : memref<1x80x128xf32, #tpu.memory_space<vmem>> -> memref<80x128xf32, #tpu.memory_space<vmem>>
      tpu.wait_dma2 semaphore(%arg10 : memref<!tpu.dma_semaphore, #tpu.memory_space<semaphore_mem>>) src(%dma_wait3A_344 : memref<80x128xf32, #tpu.memory_space<vmem>>) dst(%dma_wait3A_340 : memref<80x128xf32, #tpu.memory_space<hbm>>)
    } else {
    }
    %add3A_170 = arith.constant 1 : i32
    %add3A_171 = arith.addi %add3A_164, %add3A_170 : i32
    %lt3A_172 = arith.constant 2 : i32
    %lt3A_173 = arith.cmpi slt, %add3A_171, %lt3A_172 : i32
    %convert_element_type3A_174 = arith.extui %lt3A_173 : i1 to i32
    %cond3A_175 = arith.constant 0 : i32
    %cond3A_176 = arith.cmpi ne, %convert_element_type3A_174, %cond3A_175 : i32
    scf.if %cond3A_176 {
      %add3A_333 = arith.constant 1 : i32
      %add3A_334 = arith.addi %add3A_164, %add3A_333 : i32
      %dma_start3A_335 = arith.constant 0 : i32
      %dma_start3A_336 = arith.constant 0 : i32
      %dma_start3A_337 = arith.constant 0 : i32
      %dma_start3A_338 = tpu.memref_slice %arg6[%dma_start3A_335, %dma_start3A_336, %dma_start3A_337] : memref<2x80x128xf32, #tpu.memory_space<vmem>> -> memref<1x80x128xf32, #tpu.memory_space<vmem>>
      %dma_start3A_339 = tpu.memref_squeeze %dma_start3A_338 : memref<1x80x128xf32, #tpu.memory_space<vmem>> -> memref<80x128xf32, #tpu.memory_space<vmem>>
      %dma_start3A_340 = arith.constant 0 : i32
      %dma_start3A_341 = tpu.memref_slice %arg5[%add3A_334, %dma_start3A_340] : memref<125x80xi32, #tpu.memory_space<vmem>> -> memref<1x80xi32, #tpu.memory_space<vmem>>
      %dma_start3A_342 = tpu.memref_squeeze %dma_start3A_341 : memref<1x80xi32, #tpu.memory_space<vmem>> -> memref<80xi32, #tpu.memory_space<vmem>>
      %dma_start3A_343 = arith.constant 0 : i32
      %dma_start3A_344 = arith.constant 0 : i32
      %dma_start3A_345 = tpu.memref_slice %arg2[%dma_start3A_343, %dma_start3A_344] : memref<10000x128xf32, #tpu.memory_space<hbm>> -> memref<10000x128xf32, #tpu.memory_space<hbm>>
      tpu.enqueue_indirect_dma source(%dma_start3A_345 : memref<10000x128xf32, #tpu.memory_space<hbm>>) target(%dma_start3A_339 : memref<80x128xf32, #tpu.memory_space<vmem>>) offsets(%dma_start3A_342 : memref<80xi32, #tpu.memory_space<vmem>>) semaphore(%arg8 : memref<!tpu.dma_semaphore, #tpu.memory_space<semaphore_mem>>)
    } else {
    }
    %lt3A_177 = arith.constant 125 : i32
    %lt3A_178 = arith.cmpi slt, %add3A_164, %lt3A_177 : i32
    %convert_element_type3A_179 = arith.extui %lt3A_178 : i1 to i32
    %cond3A_180 = arith.constant 0 : i32
    %cond3A_181 = arith.cmpi ne, %convert_element_type3A_179, %cond3A_180 : i32
    scf.if %cond3A_181 {
      %dma_wait3A = arith.constant 1 : i32
      %dma_wait3A_333 = arith.constant 0 : i32
      %dma_wait3A_334 = arith.constant 0 : i32
      %dma_wait3A_335 = tpu.memref_slice %arg6[%dma_wait3A, %dma_wait3A_333, %dma_wait3A_334] : memref<2x80x128xf32, #tpu.memory_space<vmem>> -> memref<1x80x128xf32, #tpu.memory_space<vmem>>
      %dma_wait3A_336 = tpu.memref_squeeze %dma_wait3A_335 : memref<1x80x128xf32, #tpu.memory_space<vmem>> -> memref<80x128xf32, #tpu.memory_space<vmem>>
      %dma_wait3A_337 = arith.constant 0 : i32
      %dma_wait3A_338 = arith.constant 0 : i32
      %dma_wait3A_339 = tpu.memref_slice %arg2[%dma_wait3A_337, %dma_wait3A_338] : memref<10000x128xf32, #tpu.memory_space<hbm>> -> memref<80x128xf32, #tpu.memory_space<hbm>>
      %dma_wait3A_340 = arith.constant 0 : i32
      %dma_wait3A_341 = arith.constant 0 : i32
      %dma_wait3A_342 = tpu.memref_slice %arg6[%dma_wait3A, %dma_wait3A_340, %dma_wait3A_341] : memref<2x80x128xf32, #tpu.memory_space<vmem>> -> memref<1x80x128xf32, #tpu.memory_space<vmem>>
      %dma_wait3A_343 = tpu.memref_squeeze %dma_wait3A_342 : memref<1x80x128xf32, #tpu.memory_space<vmem>> -> memref<80x128xf32, #tpu.memory_space<vmem>>
      %dma_wait3A_344 = arith.constant 0 : i32
      %dma_wait3A_345 = arith.constant 0 : i32
      %dma_wait3A_346 = tpu.memref_slice %arg2[%dma_wait3A_344, %dma_wait3A_345] : memref<10000x128xf32, #tpu.memory_space<hbm>> -> memref<80x128xf32, #tpu.memory_space<hbm>>
      tpu.wait_dma2 semaphore(%arg9 : memref<!tpu.dma_semaphore, #tpu.memory_space<semaphore_mem>>) src(%dma_wait3A_346 : memref<80x128xf32, #tpu.memory_space<hbm>>) dst(%dma_wait3A_343 : memref<80x128xf32, #tpu.memory_space<vmem>>)
    } else {
    }
    %lt3A_182 = arith.constant 125 : i32
    %lt3A_183 = arith.cmpi slt, %add3A_164, %lt3A_182 : i32
    %convert_element_type3A_184 = arith.extui %lt3A_183 : i1 to i32
    %cond3A_185 = arith.constant 0 : i32
    %cond3A_186 = arith.cmpi ne, %convert_element_type3A_184, %cond3A_185 : i32
    scf.if %cond3A_186 {
      %mul3A_333 = arith.constant 80 : i32
      %mul3A_334 = arith.muli %add3A_164, %mul3A_333 : i32
      %add3A_335 = arith.addi %mul3A_2, %mul3A_334 : i32
      %dma_start3A_336 = arith.constant 1 : i32
      %dma_start3A_337 = arith.constant 0 : i32
      %dma_start3A_338 = arith.constant 0 : i32
      %dma_start3A_339 = tpu.memref_slice %arg6[%dma_start3A_336, %dma_start3A_337, %dma_start3A_338] : memref<2x80x128xf32, #tpu.memory_space<vmem>> -> memref<1x80x128xf32, #tpu.memory_space<vmem>>
      %dma_start3A_340 = tpu.memref_squeeze %dma_start3A_339 : memref<1x80x128xf32, #tpu.memory_space<vmem>> -> memref<80x128xf32, #tpu.memory_space<vmem>>
      %dma_start3A_341 = arith.constant 0 : i32
      %dma_start3A_342 = tpu.memref_slice %arg4[%add3A_335, %dma_start3A_341] : memref<320000x128xf32, #tpu.memory_space<hbm>> -> memref<80x128xf32, #tpu.memory_space<hbm>>
      %dma_start3A_343 = arith.constant 0 : i32
      %dma_start3A_344 = tpu.memref_slice %arg4[%add3A_335, %dma_start3A_343] : memref<320000x128xf32, #tpu.memory_space<hbm>> -> memref<80x128xf32, #tpu.memory_space<hbm>>
      %dma_start3A_345 = arith.constant 0 : i32
      %dma_start3A_346 = arith.constant 0 : i32
      %dma_start3A_347 = tpu.memref_slice %arg6[%dma_start3A_336, %dma_start3A_345, %dma_start3A_346] : memref<2x80x128xf32, #tpu.memory_space<vmem>> -> memref<1x80x128xf32, #tpu.memory_space<vmem>>
      %dma_start3A_348 = tpu.memref_squeeze %dma_start3A_347 : memref<1x80x128xf32, #tpu.memory_space<vmem>> -> memref<80x128xf32, #tpu.memory_space<vmem>>
      tpu.enqueue_dma source(%dma_start3A_348 : memref<80x128xf32, #tpu.memory_space<vmem>>) target(%dma_start3A_344 : memref<80x128xf32, #tpu.memory_space<hbm>>) target_semaphore(%arg11 : memref<!tpu.dma_semaphore, #tpu.memory_space<semaphore_mem>>)
    } else {
    }
    %scan3A_187 = arith.constant 0 : i32
    %scan3A_188 = arith.constant 1 : i32
    %eq3A_189 = arith.constant 0 : i32
    %eq3A_190 = arith.cmpi eq, %arg1, %eq3A_189 : i32
    %convert_element_type3A_191 = arith.extui %eq3A_190 : i1 to i32
    %cond3A_192 = arith.constant 0 : i32
    %cond3A_193 = arith.cmpi ne, %convert_element_type3A_191, %cond3A_192 : i32
    scf.if %cond3A_193 {
      %dma_wait3A = arith.constant 0 : i32
      %dma_wait3A_333 = arith.constant 0 : i32
      %dma_wait3A_334 = tpu.memref_slice %arg7[%dma_wait3A, %dma_wait3A_333] : memref<10000x128xf32, #tpu.memory_space<vmem_shared>> -> memref<400x128xf32, #tpu.memory_space<vmem_shared>>
      %dma_wait3A_335 = arith.constant 0 : i32
      %dma_wait3A_336 = arith.constant 0 : i32
      %dma_wait3A_337 = tpu.memref_slice %arg2[%dma_wait3A_335, %dma_wait3A_336] : memref<10000x128xf32, #tpu.memory_space<hbm>> -> memref<400x128xf32, #tpu.memory_space<hbm>>
      tpu.wait_dma2 semaphore(%arg12 : memref<!tpu.dma_semaphore, #tpu.memory_space<semaphore_mem>>) src(%dma_wait3A_337 : memref<400x128xf32, #tpu.memory_space<hbm>>) dst(%dma_wait3A_334 : memref<400x128xf32, #tpu.memory_space<vmem_shared>>)
    } else {
    }
    %eq3A_194 = arith.constant 1 : i32
    %eq3A_195 = arith.cmpi eq, %arg1, %eq3A_194 : i32
    %convert_element_type3A_196 = arith.extui %eq3A_195 : i1 to i32
    %cond3A_197 = arith.constant 0 : i32
    %cond3A_198 = arith.cmpi ne, %convert_element_type3A_196, %cond3A_197 : i32
    scf.if %cond3A_198 {
      %dma_wait3A = arith.constant 400 : i32
      %dma_wait3A_333 = arith.constant 0 : i32
      %dma_wait3A_334 = tpu.memref_slice %arg7[%dma_wait3A, %dma_wait3A_333] : memref<10000x128xf32, #tpu.memory_space<vmem_shared>> -> memref<400x128xf32, #tpu.memory_space<vmem_shared>>
      %dma_wait3A_335 = arith.constant 400 : i32
      %dma_wait3A_336 = arith.constant 0 : i32
      %dma_wait3A_337 = tpu.memref_slice %arg2[%dma_wait3A_335, %dma_wait3A_336] : memref<10000x128xf32, #tpu.memory_space<hbm>> -> memref<400x128xf32, #tpu.memory_space<hbm>>
      tpu.wait_dma2 semaphore(%arg12 : memref<!tpu.dma_semaphore, #tpu.memory_space<semaphore_mem>>) src(%dma_wait3A_337 : memref<400x128xf32, #tpu.memory_space<hbm>>) dst(%dma_wait3A_334 : memref<400x128xf32, #tpu.memory_space<vmem_shared>>)
    } else {
    }
    %eq3A_199 = arith.constant 2 : i32
    %eq3A_200 = arith.cmpi eq, %arg1, %eq3A_199 : i32
    %convert_element_type3A_201 = arith.extui %eq3A_200 : i1 to i32
    %cond3A_202 = arith.constant 0 : i32
    %cond3A_203 = arith.cmpi ne, %convert_element_type3A_201, %cond3A_202 : i32
    scf.if %cond3A_203 {
      %dma_wait3A = arith.constant 800 : i32
      %dma_wait3A_333 = arith.constant 0 : i32
      %dma_wait3A_334 = tpu.memref_slice %arg7[%dma_wait3A, %dma_wait3A_333] : memref<10000x128xf32, #tpu.memory_space<vmem_shared>> -> memref<400x128xf32, #tpu.memory_space<vmem_shared>>
      %dma_wait3A_335 = arith.constant 800 : i32
      %dma_wait3A_336 = arith.constant 0 : i32
      %dma_wait3A_337 = tpu.memref_slice %arg2[%dma_wait3A_335, %dma_wait3A_336] : memref<10000x128xf32, #tpu.memory_space<hbm>> -> memref<400x128xf32, #tpu.memory_space<hbm>>
      tpu.wait_dma2 semaphore(%arg12 : memref<!tpu.dma_semaphore, #tpu.memory_space<semaphore_mem>>) src(%dma_wait3A_337 : memref<400x128xf32, #tpu.memory_space<hbm>>) dst(%dma_wait3A_334 : memref<400x128xf32, #tpu.memory_space<vmem_shared>>)
    } else {
    }
    %eq3A_204 = arith.constant 3 : i32
    %eq3A_205 = arith.cmpi eq, %arg1, %eq3A_204 : i32
    %convert_element_type3A_206 = arith.extui %eq3A_205 : i1 to i32
    %cond3A_207 = arith.constant 0 : i32
    %cond3A_208 = arith.cmpi ne, %convert_element_type3A_206, %cond3A_207 : i32
    scf.if %cond3A_208 {
      %dma_wait3A = arith.constant 1200 : i32
      %dma_wait3A_333 = arith.constant 0 : i32
      %dma_wait3A_334 = tpu.memref_slice %arg7[%dma_wait3A, %dma_wait3A_333] : memref<10000x128xf32, #tpu.memory_space<vmem_shared>> -> memref<400x128xf32, #tpu.memory_space<vmem_shared>>
      %dma_wait3A_335 = arith.constant 1200 : i32
      %dma_wait3A_336 = arith.constant 0 : i32
      %dma_wait3A_337 = tpu.memref_slice %arg2[%dma_wait3A_335, %dma_wait3A_336] : memref<10000x128xf32, #tpu.memory_space<hbm>> -> memref<400x128xf32, #tpu.memory_space<hbm>>
      tpu.wait_dma2 semaphore(%arg12 : memref<!tpu.dma_semaphore, #tpu.memory_space<semaphore_mem>>) src(%dma_wait3A_337 : memref<400x128xf32, #tpu.memory_space<hbm>>) dst(%dma_wait3A_334 : memref<400x128xf32, #tpu.memory_space<vmem_shared>>)
    } else {
    }
    %eq3A_209 = arith.constant 4 : i32
    %eq3A_210 = arith.cmpi eq, %arg1, %eq3A_209 : i32
    %convert_element_type3A_211 = arith.extui %eq3A_210 : i1 to i32
    %cond3A_212 = arith.constant 0 : i32
    %cond3A_213 = arith.cmpi ne, %convert_element_type3A_211, %cond3A_212 : i32
    scf.if %cond3A_213 {
      %dma_wait3A = arith.constant 1600 : i32
      %dma_wait3A_333 = arith.constant 0 : i32
      %dma_wait3A_334 = tpu.memref_slice %arg7[%dma_wait3A, %dma_wait3A_333] : memref<10000x128xf32, #tpu.memory_space<vmem_shared>> -> memref<400x128xf32, #tpu.memory_space<vmem_shared>>
      %dma_wait3A_335 = arith.constant 1600 : i32
      %dma_wait3A_336 = arith.constant 0 : i32
      %dma_wait3A_337 = tpu.memref_slice %arg2[%dma_wait3A_335, %dma_wait3A_336] : memref<10000x128xf32, #tpu.memory_space<hbm>> -> memref<400x128xf32, #tpu.memory_space<hbm>>
      tpu.wait_dma2 semaphore(%arg12 : memref<!tpu.dma_semaphore, #tpu.memory_space<semaphore_mem>>) src(%dma_wait3A_337 : memref<400x128xf32, #tpu.memory_space<hbm>>) dst(%dma_wait3A_334 : memref<400x128xf32, #tpu.memory_space<vmem_shared>>)
    } else {
    }
    %eq3A_214 = arith.constant 5 : i32
    %eq3A_215 = arith.cmpi eq, %arg1, %eq3A_214 : i32
    %convert_element_type3A_216 = arith.extui %eq3A_215 : i1 to i32
    %cond3A_217 = arith.constant 0 : i32
    %cond3A_218 = arith.cmpi ne, %convert_element_type3A_216, %cond3A_217 : i32
    scf.if %cond3A_218 {
      %dma_wait3A = arith.constant 2000 : i32
      %dma_wait3A_333 = arith.constant 0 : i32
      %dma_wait3A_334 = tpu.memref_slice %arg7[%dma_wait3A, %dma_wait3A_333] : memref<10000x128xf32, #tpu.memory_space<vmem_shared>> -> memref<400x128xf32, #tpu.memory_space<vmem_shared>>
      %dma_wait3A_335 = arith.constant 2000 : i32
      %dma_wait3A_336 = arith.constant 0 : i32
      %dma_wait3A_337 = tpu.memref_slice %arg2[%dma_wait3A_335, %dma_wait3A_336] : memref<10000x128xf32, #tpu.memory_space<hbm>> -> memref<400x128xf32, #tpu.memory_space<hbm>>
      tpu.wait_dma2 semaphore(%arg12 : memref<!tpu.dma_semaphore, #tpu.memory_space<semaphore_mem>>) src(%dma_wait3A_337 : memref<400x128xf32, #tpu.memory_space<hbm>>) dst(%dma_wait3A_334 : memref<400x128xf32, #tpu.memory_space<vmem_shared>>)
    } else {
    }
    %eq3A_219 = arith.constant 6 : i32
    %eq3A_220 = arith.cmpi eq, %arg1, %eq3A_219 : i32
    %convert_element_type3A_221 = arith.extui %eq3A_220 : i1 to i32
    %cond3A_222 = arith.constant 0 : i32
    %cond3A_223 = arith.cmpi ne, %convert_element_type3A_221, %cond3A_222 : i32
    scf.if %cond3A_223 {
      %dma_wait3A = arith.constant 2400 : i32
      %dma_wait3A_333 = arith.constant 0 : i32
      %dma_wait3A_334 = tpu.memref_slice %arg7[%dma_wait3A, %dma_wait3A_333] : memref<10000x128xf32, #tpu.memory_space<vmem_shared>> -> memref<400x128xf32, #tpu.memory_space<vmem_shared>>
      %dma_wait3A_335 = arith.constant 2400 : i32
      %dma_wait3A_336 = arith.constant 0 : i32
      %dma_wait3A_337 = tpu.memref_slice %arg2[%dma_wait3A_335, %dma_wait3A_336] : memref<10000x128xf32, #tpu.memory_space<hbm>> -> memref<400x128xf32, #tpu.memory_space<hbm>>
      tpu.wait_dma2 semaphore(%arg12 : memref<!tpu.dma_semaphore, #tpu.memory_space<semaphore_mem>>) src(%dma_wait3A_337 : memref<400x128xf32, #tpu.memory_space<hbm>>) dst(%dma_wait3A_334 : memref<400x128xf32, #tpu.memory_space<vmem_shared>>)
    } else {
    }
    %eq3A_224 = arith.constant 7 : i32
    %eq3A_225 = arith.cmpi eq, %arg1, %eq3A_224 : i32
    %convert_element_type3A_226 = arith.extui %eq3A_225 : i1 to i32
    %cond3A_227 = arith.constant 0 : i32
    %cond3A_228 = arith.cmpi ne, %convert_element_type3A_226, %cond3A_227 : i32
    scf.if %cond3A_228 {
      %dma_wait3A = arith.constant 2800 : i32
      %dma_wait3A_333 = arith.constant 0 : i32
      %dma_wait3A_334 = tpu.memref_slice %arg7[%dma_wait3A, %dma_wait3A_333] : memref<10000x128xf32, #tpu.memory_space<vmem_shared>> -> memref<400x128xf32, #tpu.memory_space<vmem_shared>>
      %dma_wait3A_335 = arith.constant 2800 : i32
      %dma_wait3A_336 = arith.constant 0 : i32
      %dma_wait3A_337 = tpu.memref_slice %arg2[%dma_wait3A_335, %dma_wait3A_336] : memref<10000x128xf32, #tpu.memory_space<hbm>> -> memref<400x128xf32, #tpu.memory_space<hbm>>
      tpu.wait_dma2 semaphore(%arg12 : memref<!tpu.dma_semaphore, #tpu.memory_space<semaphore_mem>>) src(%dma_wait3A_337 : memref<400x128xf32, #tpu.memory_space<hbm>>) dst(%dma_wait3A_334 : memref<400x128xf32, #tpu.memory_space<vmem_shared>>)
    } else {
    }
    %eq3A_229 = arith.constant 8 : i32
    %eq3A_230 = arith.cmpi eq, %arg1, %eq3A_229 : i32
    %convert_element_type3A_231 = arith.extui %eq3A_230 : i1 to i32
    %cond3A_232 = arith.constant 0 : i32
    %cond3A_233 = arith.cmpi ne, %convert_element_type3A_231, %cond3A_232 : i32
    scf.if %cond3A_233 {
      %dma_wait3A = arith.constant 3200 : i32
      %dma_wait3A_333 = arith.constant 0 : i32
      %dma_wait3A_334 = tpu.memref_slice %arg7[%dma_wait3A, %dma_wait3A_333] : memref<10000x128xf32, #tpu.memory_space<vmem_shared>> -> memref<400x128xf32, #tpu.memory_space<vmem_shared>>
      %dma_wait3A_335 = arith.constant 3200 : i32
      %dma_wait3A_336 = arith.constant 0 : i32
      %dma_wait3A_337 = tpu.memref_slice %arg2[%dma_wait3A_335, %dma_wait3A_336] : memref<10000x128xf32, #tpu.memory_space<hbm>> -> memref<400x128xf32, #tpu.memory_space<hbm>>
      tpu.wait_dma2 semaphore(%arg12 : memref<!tpu.dma_semaphore, #tpu.memory_space<semaphore_mem>>) src(%dma_wait3A_337 : memref<400x128xf32, #tpu.memory_space<hbm>>) dst(%dma_wait3A_334 : memref<400x128xf32, #tpu.memory_space<vmem_shared>>)
    } else {
    }
    %eq3A_234 = arith.constant 9 : i32
    %eq3A_235 = arith.cmpi eq, %arg1, %eq3A_234 : i32
    %convert_element_type3A_236 = arith.extui %eq3A_235 : i1 to i32
    %cond3A_237 = arith.constant 0 : i32
    %cond3A_238 = arith.cmpi ne, %convert_element_type3A_236, %cond3A_237 : i32
    scf.if %cond3A_238 {
      %dma_wait3A = arith.constant 3600 : i32
      %dma_wait3A_333 = arith.constant 0 : i32
      %dma_wait3A_334 = tpu.memref_slice %arg7[%dma_wait3A, %dma_wait3A_333] : memref<10000x128xf32, #tpu.memory_space<vmem_shared>> -> memref<400x128xf32, #tpu.memory_space<vmem_shared>>
      %dma_wait3A_335 = arith.constant 3600 : i32
      %dma_wait3A_336 = arith.constant 0 : i32
      %dma_wait3A_337 = tpu.memref_slice %arg2[%dma_wait3A_335, %dma_wait3A_336] : memref<10000x128xf32, #tpu.memory_space<hbm>> -> memref<400x128xf32, #tpu.memory_space<hbm>>
      tpu.wait_dma2 semaphore(%arg12 : memref<!tpu.dma_semaphore, #tpu.memory_space<semaphore_mem>>) src(%dma_wait3A_337 : memref<400x128xf32, #tpu.memory_space<hbm>>) dst(%dma_wait3A_334 : memref<400x128xf32, #tpu.memory_space<vmem_shared>>)
    } else {
    }
    %eq3A_239 = arith.constant 10 : i32
    %eq3A_240 = arith.cmpi eq, %arg1, %eq3A_239 : i32
    %convert_element_type3A_241 = arith.extui %eq3A_240 : i1 to i32
    %cond3A_242 = arith.constant 0 : i32
    %cond3A_243 = arith.cmpi ne, %convert_element_type3A_241, %cond3A_242 : i32
    scf.if %cond3A_243 {
      %dma_wait3A = arith.constant 4000 : i32
      %dma_wait3A_333 = arith.constant 0 : i32
      %dma_wait3A_334 = tpu.memref_slice %arg7[%dma_wait3A, %dma_wait3A_333] : memref<10000x128xf32, #tpu.memory_space<vmem_shared>> -> memref<400x128xf32, #tpu.memory_space<vmem_shared>>
      %dma_wait3A_335 = arith.constant 4000 : i32
      %dma_wait3A_336 = arith.constant 0 : i32
      %dma_wait3A_337 = tpu.memref_slice %arg2[%dma_wait3A_335, %dma_wait3A_336] : memref<10000x128xf32, #tpu.memory_space<hbm>> -> memref<400x128xf32, #tpu.memory_space<hbm>>
      tpu.wait_dma2 semaphore(%arg12 : memref<!tpu.dma_semaphore, #tpu.memory_space<semaphore_mem>>) src(%dma_wait3A_337 : memref<400x128xf32, #tpu.memory_space<hbm>>) dst(%dma_wait3A_334 : memref<400x128xf32, #tpu.memory_space<vmem_shared>>)
    } else {
    }
    %eq3A_244 = arith.constant 11 : i32
    %eq3A_245 = arith.cmpi eq, %arg1, %eq3A_244 : i32
    %convert_element_type3A_246 = arith.extui %eq3A_245 : i1 to i32
    %cond3A_247 = arith.constant 0 : i32
    %cond3A_248 = arith.cmpi ne, %convert_element_type3A_246, %cond3A_247 : i32
    scf.if %cond3A_248 {
      %dma_wait3A = arith.constant 4400 : i32
      %dma_wait3A_333 = arith.constant 0 : i32
      %dma_wait3A_334 = tpu.memref_slice %arg7[%dma_wait3A, %dma_wait3A_333] : memref<10000x128xf32, #tpu.memory_space<vmem_shared>> -> memref<400x128xf32, #tpu.memory_space<vmem_shared>>
      %dma_wait3A_335 = arith.constant 4400 : i32
      %dma_wait3A_336 = arith.constant 0 : i32
      %dma_wait3A_337 = tpu.memref_slice %arg2[%dma_wait3A_335, %dma_wait3A_336] : memref<10000x128xf32, #tpu.memory_space<hbm>> -> memref<400x128xf32, #tpu.memory_space<hbm>>
      tpu.wait_dma2 semaphore(%arg12 : memref<!tpu.dma_semaphore, #tpu.memory_space<semaphore_mem>>) src(%dma_wait3A_337 : memref<400x128xf32, #tpu.memory_space<hbm>>) dst(%dma_wait3A_334 : memref<400x128xf32, #tpu.memory_space<vmem_shared>>)
    } else {
    }
    %eq3A_249 = arith.constant 12 : i32
    %eq3A_250 = arith.cmpi eq, %arg1, %eq3A_249 : i32
    %convert_element_type3A_251 = arith.extui %eq3A_250 : i1 to i32
    %cond3A_252 = arith.constant 0 : i32
    %cond3A_253 = arith.cmpi ne, %convert_element_type3A_251, %cond3A_252 : i32
    scf.if %cond3A_253 {
      %dma_wait3A = arith.constant 4800 : i32
      %dma_wait3A_333 = arith.constant 0 : i32
      %dma_wait3A_334 = tpu.memref_slice %arg7[%dma_wait3A, %dma_wait3A_333] : memref<10000x128xf32, #tpu.memory_space<vmem_shared>> -> memref<400x128xf32, #tpu.memory_space<vmem_shared>>
      %dma_wait3A_335 = arith.constant 4800 : i32
      %dma_wait3A_336 = arith.constant 0 : i32
      %dma_wait3A_337 = tpu.memref_slice %arg2[%dma_wait3A_335, %dma_wait3A_336] : memref<10000x128xf32, #tpu.memory_space<hbm>> -> memref<400x128xf32, #tpu.memory_space<hbm>>
      tpu.wait_dma2 semaphore(%arg12 : memref<!tpu.dma_semaphore, #tpu.memory_space<semaphore_mem>>) src(%dma_wait3A_337 : memref<400x128xf32, #tpu.memory_space<hbm>>) dst(%dma_wait3A_334 : memref<400x128xf32, #tpu.memory_space<vmem_shared>>)
    } else {
    }
    %eq3A_254 = arith.constant 13 : i32
    %eq3A_255 = arith.cmpi eq, %arg1, %eq3A_254 : i32
    %convert_element_type3A_256 = arith.extui %eq3A_255 : i1 to i32
    %cond3A_257 = arith.constant 0 : i32
    %cond3A_258 = arith.cmpi ne, %convert_element_type3A_256, %cond3A_257 : i32
    scf.if %cond3A_258 {
      %dma_wait3A = arith.constant 5200 : i32
      %dma_wait3A_333 = arith.constant 0 : i32
      %dma_wait3A_334 = tpu.memref_slice %arg7[%dma_wait3A, %dma_wait3A_333] : memref<10000x128xf32, #tpu.memory_space<vmem_shared>> -> memref<400x128xf32, #tpu.memory_space<vmem_shared>>
      %dma_wait3A_335 = arith.constant 5200 : i32
      %dma_wait3A_336 = arith.constant 0 : i32
      %dma_wait3A_337 = tpu.memref_slice %arg2[%dma_wait3A_335, %dma_wait3A_336] : memref<10000x128xf32, #tpu.memory_space<hbm>> -> memref<400x128xf32, #tpu.memory_space<hbm>>
      tpu.wait_dma2 semaphore(%arg12 : memref<!tpu.dma_semaphore, #tpu.memory_space<semaphore_mem>>) src(%dma_wait3A_337 : memref<400x128xf32, #tpu.memory_space<hbm>>) dst(%dma_wait3A_334 : memref<400x128xf32, #tpu.memory_space<vmem_shared>>)
    } else {
    }
    %eq3A_259 = arith.constant 14 : i32
    %eq3A_260 = arith.cmpi eq, %arg1, %eq3A_259 : i32
    %convert_element_type3A_261 = arith.extui %eq3A_260 : i1 to i32
    %cond3A_262 = arith.constant 0 : i32
    %cond3A_263 = arith.cmpi ne, %convert_element_type3A_261, %cond3A_262 : i32
    scf.if %cond3A_263 {
      %dma_wait3A = arith.constant 5600 : i32
      %dma_wait3A_333 = arith.constant 0 : i32
      %dma_wait3A_334 = tpu.memref_slice %arg7[%dma_wait3A, %dma_wait3A_333] : memref<10000x128xf32, #tpu.memory_space<vmem_shared>> -> memref<400x128xf32, #tpu.memory_space<vmem_shared>>
      %dma_wait3A_335 = arith.constant 5600 : i32
      %dma_wait3A_336 = arith.constant 0 : i32
      %dma_wait3A_337 = tpu.memref_slice %arg2[%dma_wait3A_335, %dma_wait3A_336] : memref<10000x128xf32, #tpu.memory_space<hbm>> -> memref<400x128xf32, #tpu.memory_space<hbm>>
      tpu.wait_dma2 semaphore(%arg12 : memref<!tpu.dma_semaphore, #tpu.memory_space<semaphore_mem>>) src(%dma_wait3A_337 : memref<400x128xf32, #tpu.memory_space<hbm>>) dst(%dma_wait3A_334 : memref<400x128xf32, #tpu.memory_space<vmem_shared>>)
    } else {
    }
    %eq3A_264 = arith.constant 15 : i32
    %eq3A_265 = arith.cmpi eq, %arg1, %eq3A_264 : i32
    %convert_element_type3A_266 = arith.extui %eq3A_265 : i1 to i32
    %cond3A_267 = arith.constant 0 : i32
    %cond3A_268 = arith.cmpi ne, %convert_element_type3A_266, %cond3A_267 : i32
    scf.if %cond3A_268 {
      %dma_wait3A = arith.constant 6000 : i32
      %dma_wait3A_333 = arith.constant 0 : i32
      %dma_wait3A_334 = tpu.memref_slice %arg7[%dma_wait3A, %dma_wait3A_333] : memref<10000x128xf32, #tpu.memory_space<vmem_shared>> -> memref<400x128xf32, #tpu.memory_space<vmem_shared>>
      %dma_wait3A_335 = arith.constant 6000 : i32
      %dma_wait3A_336 = arith.constant 0 : i32
      %dma_wait3A_337 = tpu.memref_slice %arg2[%dma_wait3A_335, %dma_wait3A_336] : memref<10000x128xf32, #tpu.memory_space<hbm>> -> memref<400x128xf32, #tpu.memory_space<hbm>>
      tpu.wait_dma2 semaphore(%arg12 : memref<!tpu.dma_semaphore, #tpu.memory_space<semaphore_mem>>) src(%dma_wait3A_337 : memref<400x128xf32, #tpu.memory_space<hbm>>) dst(%dma_wait3A_334 : memref<400x128xf32, #tpu.memory_space<vmem_shared>>)
    } else {
    }
    %eq3A_269 = arith.constant 0 : i32
    %eq3A_270 = arith.cmpi eq, %arg1, %eq3A_269 : i32
    %convert_element_type3A_271 = arith.extui %eq3A_270 : i1 to i32
    %cond3A_272 = arith.constant 0 : i32
    %cond3A_273 = arith.cmpi ne, %convert_element_type3A_271, %cond3A_272 : i32
    scf.if %cond3A_273 {
      %dma_wait3A = arith.constant 6400 : i32
      %dma_wait3A_333 = arith.constant 0 : i32
      %dma_wait3A_334 = tpu.memref_slice %arg7[%dma_wait3A, %dma_wait3A_333] : memref<10000x128xf32, #tpu.memory_space<vmem_shared>> -> memref<400x128xf32, #tpu.memory_space<vmem_shared>>
      %dma_wait3A_335 = arith.constant 6400 : i32
      %dma_wait3A_336 = arith.constant 0 : i32
      %dma_wait3A_337 = tpu.memref_slice %arg2[%dma_wait3A_335, %dma_wait3A_336] : memref<10000x128xf32, #tpu.memory_space<hbm>> -> memref<400x128xf32, #tpu.memory_space<hbm>>
      tpu.wait_dma2 semaphore(%arg12 : memref<!tpu.dma_semaphore, #tpu.memory_space<semaphore_mem>>) src(%dma_wait3A_337 : memref<400x128xf32, #tpu.memory_space<hbm>>) dst(%dma_wait3A_334 : memref<400x128xf32, #tpu.memory_space<vmem_shared>>)
    } else {
    }
    %eq3A_274 = arith.constant 1 : i32
    %eq3A_275 = arith.cmpi eq, %arg1, %eq3A_274 : i32
    %convert_element_type3A_276 = arith.extui %eq3A_275 : i1 to i32
    %cond3A_277 = arith.constant 0 : i32
    %cond3A_278 = arith.cmpi ne, %convert_element_type3A_276, %cond3A_277 : i32
    scf.if %cond3A_278 {
      %dma_wait3A = arith.constant 6800 : i32
      %dma_wait3A_333 = arith.constant 0 : i32
      %dma_wait3A_334 = tpu.memref_slice %arg7[%dma_wait3A, %dma_wait3A_333] : memref<10000x128xf32, #tpu.memory_space<vmem_shared>> -> memref<400x128xf32, #tpu.memory_space<vmem_shared>>
      %dma_wait3A_335 = arith.constant 6800 : i32
      %dma_wait3A_336 = arith.constant 0 : i32
      %dma_wait3A_337 = tpu.memref_slice %arg2[%dma_wait3A_335, %dma_wait3A_336] : memref<10000x128xf32, #tpu.memory_space<hbm>> -> memref<400x128xf32, #tpu.memory_space<hbm>>
      tpu.wait_dma2 semaphore(%arg12 : memref<!tpu.dma_semaphore, #tpu.memory_space<semaphore_mem>>) src(%dma_wait3A_337 : memref<400x128xf32, #tpu.memory_space<hbm>>) dst(%dma_wait3A_334 : memref<400x128xf32, #tpu.memory_space<vmem_shared>>)
    } else {
    }
    %eq3A_279 = arith.constant 2 : i32
    %eq3A_280 = arith.cmpi eq, %arg1, %eq3A_279 : i32
    %convert_element_type3A_281 = arith.extui %eq3A_280 : i1 to i32
    %cond3A_282 = arith.constant 0 : i32
    %cond3A_283 = arith.cmpi ne, %convert_element_type3A_281, %cond3A_282 : i32
    scf.if %cond3A_283 {
      %dma_wait3A = arith.constant 7200 : i32
      %dma_wait3A_333 = arith.constant 0 : i32
      %dma_wait3A_334 = tpu.memref_slice %arg7[%dma_wait3A, %dma_wait3A_333] : memref<10000x128xf32, #tpu.memory_space<vmem_shared>> -> memref<400x128xf32, #tpu.memory_space<vmem_shared>>
      %dma_wait3A_335 = arith.constant 7200 : i32
      %dma_wait3A_336 = arith.constant 0 : i32
      %dma_wait3A_337 = tpu.memref_slice %arg2[%dma_wait3A_335, %dma_wait3A_336] : memref<10000x128xf32, #tpu.memory_space<hbm>> -> memref<400x128xf32, #tpu.memory_space<hbm>>
      tpu.wait_dma2 semaphore(%arg12 : memref<!tpu.dma_semaphore, #tpu.memory_space<semaphore_mem>>) src(%dma_wait3A_337 : memref<400x128xf32, #tpu.memory_space<hbm>>) dst(%dma_wait3A_334 : memref<400x128xf32, #tpu.memory_space<vmem_shared>>)
    } else {
    }
    %eq3A_284 = arith.constant 3 : i32
    %eq3A_285 = arith.cmpi eq, %arg1, %eq3A_284 : i32
    %convert_element_type3A_286 = arith.extui %eq3A_285 : i1 to i32
    %cond3A_287 = arith.constant 0 : i32
    %cond3A_288 = arith.cmpi ne, %convert_element_type3A_286, %cond3A_287 : i32
    scf.if %cond3A_288 {
      %dma_wait3A = arith.constant 7600 : i32
      %dma_wait3A_333 = arith.constant 0 : i32
      %dma_wait3A_334 = tpu.memref_slice %arg7[%dma_wait3A, %dma_wait3A_333] : memref<10000x128xf32, #tpu.memory_space<vmem_shared>> -> memref<400x128xf32, #tpu.memory_space<vmem_shared>>
      %dma_wait3A_335 = arith.constant 7600 : i32
      %dma_wait3A_336 = arith.constant 0 : i32
      %dma_wait3A_337 = tpu.memref_slice %arg2[%dma_wait3A_335, %dma_wait3A_336] : memref<10000x128xf32, #tpu.memory_space<hbm>> -> memref<400x128xf32, #tpu.memory_space<hbm>>
      tpu.wait_dma2 semaphore(%arg12 : memref<!tpu.dma_semaphore, #tpu.memory_space<semaphore_mem>>) src(%dma_wait3A_337 : memref<400x128xf32, #tpu.memory_space<hbm>>) dst(%dma_wait3A_334 : memref<400x128xf32, #tpu.memory_space<vmem_shared>>)
    } else {
    }
    %eq3A_289 = arith.constant 4 : i32
    %eq3A_290 = arith.cmpi eq, %arg1, %eq3A_289 : i32
    %convert_element_type3A_291 = arith.extui %eq3A_290 : i1 to i32
    %cond3A_292 = arith.constant 0 : i32
    %cond3A_293 = arith.cmpi ne, %convert_element_type3A_291, %cond3A_292 : i32
    scf.if %cond3A_293 {
      %dma_wait3A = arith.constant 8000 : i32
      %dma_wait3A_333 = arith.constant 0 : i32
      %dma_wait3A_334 = tpu.memref_slice %arg7[%dma_wait3A, %dma_wait3A_333] : memref<10000x128xf32, #tpu.memory_space<vmem_shared>> -> memref<400x128xf32, #tpu.memory_space<vmem_shared>>
      %dma_wait3A_335 = arith.constant 8000 : i32
      %dma_wait3A_336 = arith.constant 0 : i32
      %dma_wait3A_337 = tpu.memref_slice %arg2[%dma_wait3A_335, %dma_wait3A_336] : memref<10000x128xf32, #tpu.memory_space<hbm>> -> memref<400x128xf32, #tpu.memory_space<hbm>>
      tpu.wait_dma2 semaphore(%arg12 : memref<!tpu.dma_semaphore, #tpu.memory_space<semaphore_mem>>) src(%dma_wait3A_337 : memref<400x128xf32, #tpu.memory_space<hbm>>) dst(%dma_wait3A_334 : memref<400x128xf32, #tpu.memory_space<vmem_shared>>)
    } else {
    }
    %eq3A_294 = arith.constant 5 : i32
    %eq3A_295 = arith.cmpi eq, %arg1, %eq3A_294 : i32
    %convert_element_type3A_296 = arith.extui %eq3A_295 : i1 to i32
    %cond3A_297 = arith.constant 0 : i32
    %cond3A_298 = arith.cmpi ne, %convert_element_type3A_296, %cond3A_297 : i32
    scf.if %cond3A_298 {
      %dma_wait3A = arith.constant 8400 : i32
      %dma_wait3A_333 = arith.constant 0 : i32
      %dma_wait3A_334 = tpu.memref_slice %arg7[%dma_wait3A, %dma_wait3A_333] : memref<10000x128xf32, #tpu.memory_space<vmem_shared>> -> memref<400x128xf32, #tpu.memory_space<vmem_shared>>
      %dma_wait3A_335 = arith.constant 8400 : i32
      %dma_wait3A_336 = arith.constant 0 : i32
      %dma_wait3A_337 = tpu.memref_slice %arg2[%dma_wait3A_335, %dma_wait3A_336] : memref<10000x128xf32, #tpu.memory_space<hbm>> -> memref<400x128xf32, #tpu.memory_space<hbm>>
      tpu.wait_dma2 semaphore(%arg12 : memref<!tpu.dma_semaphore, #tpu.memory_space<semaphore_mem>>) src(%dma_wait3A_337 : memref<400x128xf32, #tpu.memory_space<hbm>>) dst(%dma_wait3A_334 : memref<400x128xf32, #tpu.memory_space<vmem_shared>>)
    } else {
    }
    %eq3A_299 = arith.constant 6 : i32
    %eq3A_300 = arith.cmpi eq, %arg1, %eq3A_299 : i32
    %convert_element_type3A_301 = arith.extui %eq3A_300 : i1 to i32
    %cond3A_302 = arith.constant 0 : i32
    %cond3A_303 = arith.cmpi ne, %convert_element_type3A_301, %cond3A_302 : i32
    scf.if %cond3A_303 {
      %dma_wait3A = arith.constant 8800 : i32
      %dma_wait3A_333 = arith.constant 0 : i32
      %dma_wait3A_334 = tpu.memref_slice %arg7[%dma_wait3A, %dma_wait3A_333] : memref<10000x128xf32, #tpu.memory_space<vmem_shared>> -> memref<400x128xf32, #tpu.memory_space<vmem_shared>>
      %dma_wait3A_335 = arith.constant 8800 : i32
      %dma_wait3A_336 = arith.constant 0 : i32
      %dma_wait3A_337 = tpu.memref_slice %arg2[%dma_wait3A_335, %dma_wait3A_336] : memref<10000x128xf32, #tpu.memory_space<hbm>> -> memref<400x128xf32, #tpu.memory_space<hbm>>
      tpu.wait_dma2 semaphore(%arg12 : memref<!tpu.dma_semaphore, #tpu.memory_space<semaphore_mem>>) src(%dma_wait3A_337 : memref<400x128xf32, #tpu.memory_space<hbm>>) dst(%dma_wait3A_334 : memref<400x128xf32, #tpu.memory_space<vmem_shared>>)
    } else {
    }
    %eq3A_304 = arith.constant 7 : i32
    %eq3A_305 = arith.cmpi eq, %arg1, %eq3A_304 : i32
    %convert_element_type3A_306 = arith.extui %eq3A_305 : i1 to i32
    %cond3A_307 = arith.constant 0 : i32
    %cond3A_308 = arith.cmpi ne, %convert_element_type3A_306, %cond3A_307 : i32
    scf.if %cond3A_308 {
      %dma_wait3A = arith.constant 9200 : i32
      %dma_wait3A_333 = arith.constant 0 : i32
      %dma_wait3A_334 = tpu.memref_slice %arg7[%dma_wait3A, %dma_wait3A_333] : memref<10000x128xf32, #tpu.memory_space<vmem_shared>> -> memref<400x128xf32, #tpu.memory_space<vmem_shared>>
      %dma_wait3A_335 = arith.constant 9200 : i32
      %dma_wait3A_336 = arith.constant 0 : i32
      %dma_wait3A_337 = tpu.memref_slice %arg2[%dma_wait3A_335, %dma_wait3A_336] : memref<10000x128xf32, #tpu.memory_space<hbm>> -> memref<400x128xf32, #tpu.memory_space<hbm>>
      tpu.wait_dma2 semaphore(%arg12 : memref<!tpu.dma_semaphore, #tpu.memory_space<semaphore_mem>>) src(%dma_wait3A_337 : memref<400x128xf32, #tpu.memory_space<hbm>>) dst(%dma_wait3A_334 : memref<400x128xf32, #tpu.memory_space<vmem_shared>>)
    } else {
    }
    %eq3A_309 = arith.constant 8 : i32
    %eq3A_310 = arith.cmpi eq, %arg1, %eq3A_309 : i32
    %convert_element_type3A_311 = arith.extui %eq3A_310 : i1 to i32
    %cond3A_312 = arith.constant 0 : i32
    %cond3A_313 = arith.cmpi ne, %convert_element_type3A_311, %cond3A_312 : i32
    scf.if %cond3A_313 {
      %dma_wait3A = arith.constant 9600 : i32
      %dma_wait3A_333 = arith.constant 0 : i32
      %dma_wait3A_334 = tpu.memref_slice %arg7[%dma_wait3A, %dma_wait3A_333] : memref<10000x128xf32, #tpu.memory_space<vmem_shared>> -> memref<400x128xf32, #tpu.memory_space<vmem_shared>>
      %dma_wait3A_335 = arith.constant 9600 : i32
      %dma_wait3A_336 = arith.constant 0 : i32
      %dma_wait3A_337 = tpu.memref_slice %arg2[%dma_wait3A_335, %dma_wait3A_336] : memref<10000x128xf32, #tpu.memory_space<hbm>> -> memref<400x128xf32, #tpu.memory_space<hbm>>
      tpu.wait_dma2 semaphore(%arg12 : memref<!tpu.dma_semaphore, #tpu.memory_space<semaphore_mem>>) src(%dma_wait3A_337 : memref<400x128xf32, #tpu.memory_space<hbm>>) dst(%dma_wait3A_334 : memref<400x128xf32, #tpu.memory_space<vmem_shared>>)
    } else {
    }
    %barrier3A = arith.constant 0 : index
    tpu.barrier barrier_id(%barrier3A)
    %dma_start3A_314 = arith.constant 2 : i32
    %dma_start3A_315 = arith.constant 0 : i32
    %dma_start3A_316 = arith.constant 0 : i32
    %dma_start3A_317 = arith.constant 0 : i32
    %dma_start3A_318 = tpu.memref_slice %arg6[%dma_start3A_315, %dma_start3A_316, %dma_start3A_317] : memref<2x80x128xf32, #tpu.memory_space<vmem>> -> memref<1x80x128xf32, #tpu.memory_space<vmem>>
    %dma_start3A_319 = tpu.memref_squeeze %dma_start3A_318 : memref<1x80x128xf32, #tpu.memory_space<vmem>> -> memref<80x128xf32, #tpu.memory_space<vmem>>
    %dma_start3A_320 = arith.constant 0 : i32
    %dma_start3A_321 = tpu.memref_slice %arg5[%dma_start3A_314, %dma_start3A_320] : memref<125x80xi32, #tpu.memory_space<vmem>> -> memref<1x80xi32, #tpu.memory_space<vmem>>
    %dma_start3A_322 = tpu.memref_squeeze %dma_start3A_321 : memref<1x80xi32, #tpu.memory_space<vmem>> -> memref<80xi32, #tpu.memory_space<vmem>>
    %dma_start3A_323 = arith.constant 0 : i32
    %dma_start3A_324 = arith.constant 0 : i32
    %dma_start3A_325 = tpu.memref_slice %arg7[%dma_start3A_323, %dma_start3A_324] : memref<10000x128xf32, #tpu.memory_space<vmem_shared>> -> memref<10000x128xf32, #tpu.memory_space<vmem_shared>>
    tpu.enqueue_indirect_dma source(%dma_start3A_325 : memref<10000x128xf32, #tpu.memory_space<vmem_shared>>) target(%dma_start3A_319 : memref<80x128xf32, #tpu.memory_space<vmem>>) offsets(%dma_start3A_322 : memref<80xi32, #tpu.memory_space<vmem>>) semaphore(%arg8 : memref<!tpu.dma_semaphore, #tpu.memory_space<semaphore_mem>>)
    %scan3A_326 = arith.constant 0 : i32
    %scan3A_327 = arith.constant 1 : i32
    %scan3A_328 = arith.constant 62 : i32
    %scan3A_329 = arith.addi %scan3A_327, %scan3A_328 : i32
    %scan3A_330 = arith.constant 1 : i32
    %scan3A_331 = scf.for %scan3A_333 = %scan3A_327 to %scan3A_329 step %scan3A_330 iter_args(%scan3A_334 = %scan3A_326) -> (i32)  : i32 {
      %mul3A_335 = arith.constant 2 : i32
      %mul3A_336 = arith.muli %mul3A_335, %scan3A_333 : i32
      %add3A_337 = arith.constant 0 : i32
      %add3A_338 = arith.addi %mul3A_336, %add3A_337 : i32
      %ge3A_339 = arith.constant 1 : i32
      %ge3A_340 = arith.cmpi sge, %add3A_338, %ge3A_339 : i32
      %convert_element_type3A_341 = arith.extui %ge3A_340 : i1 to i32
      %cond3A_342 = arith.constant 0 : i32
      %cond3A_343 = arith.cmpi ne, %convert_element_type3A_341, %cond3A_342 : i32
      scf.if %cond3A_343 {
        %dma_wait3A = arith.constant 1 : i32
        %dma_wait3A_388 = arith.constant 0 : i32
        %dma_wait3A_389 = arith.constant 0 : i32
        %dma_wait3A_390 = tpu.memref_slice %arg6[%dma_wait3A, %dma_wait3A_388, %dma_wait3A_389] : memref<2x80x128xf32, #tpu.memory_space<vmem>> -> memref<1x80x128xf32, #tpu.memory_space<vmem>>
        %dma_wait3A_391 = tpu.memref_squeeze %dma_wait3A_390 : memref<1x80x128xf32, #tpu.memory_space<vmem>> -> memref<80x128xf32, #tpu.memory_space<vmem>>
        %dma_wait3A_392 = arith.constant 0 : i32
        %dma_wait3A_393 = tpu.memref_slice %arg4[%mul3A_2, %dma_wait3A_392] : memref<320000x128xf32, #tpu.memory_space<hbm>> -> memref<80x128xf32, #tpu.memory_space<hbm>>
        %dma_wait3A_394 = arith.constant 0 : i32
        %dma_wait3A_395 = tpu.memref_slice %arg4[%mul3A_2, %dma_wait3A_394] : memref<320000x128xf32, #tpu.memory_space<hbm>> -> memref<80x128xf32, #tpu.memory_space<hbm>>
        %dma_wait3A_396 = arith.constant 0 : i32
        %dma_wait3A_397 = arith.constant 0 : i32
        %dma_wait3A_398 = tpu.memref_slice %arg6[%dma_wait3A, %dma_wait3A_396, %dma_wait3A_397] : memref<2x80x128xf32, #tpu.memory_space<vmem>> -> memref<1x80x128xf32, #tpu.memory_space<vmem>>
        %dma_wait3A_399 = tpu.memref_squeeze %dma_wait3A_398 : memref<1x80x128xf32, #tpu.memory_space<vmem>> -> memref<80x128xf32, #tpu.memory_space<vmem>>
        tpu.wait_dma2 semaphore(%arg11 : memref<!tpu.dma_semaphore, #tpu.memory_space<semaphore_mem>>) src(%dma_wait3A_399 : memref<80x128xf32, #tpu.memory_space<vmem>>) dst(%dma_wait3A_395 : memref<80x128xf32, #tpu.memory_space<hbm>>)
      } else {
      }
      %add3A_344 = arith.constant 1 : i32
      %add3A_345 = arith.addi %add3A_338, %add3A_344 : i32
      %lt3A_346 = arith.constant 125 : i32
      %lt3A_347 = arith.cmpi slt, %add3A_345, %lt3A_346 : i32
      %convert_element_type3A_348 = arith.extui %lt3A_347 : i1 to i32
      %cond3A_349 = arith.constant 0 : i32
      %cond3A_350 = arith.cmpi ne, %convert_element_type3A_348, %cond3A_349 : i32
      scf.if %cond3A_350 {
        %add3A_388 = arith.constant 1 : i32
        %add3A_389 = arith.addi %add3A_338, %add3A_388 : i32
        %dma_start3A_390 = arith.constant 1 : i32
        %dma_start3A_391 = arith.constant 0 : i32
        %dma_start3A_392 = arith.constant 0 : i32
        %dma_start3A_393 = tpu.memref_slice %arg6[%dma_start3A_390, %dma_start3A_391, %dma_start3A_392] : memref<2x80x128xf32, #tpu.memory_space<vmem>> -> memref<1x80x128xf32, #tpu.memory_space<vmem>>
        %dma_start3A_394 = tpu.memref_squeeze %dma_start3A_393 : memref<1x80x128xf32, #tpu.memory_space<vmem>> -> memref<80x128xf32, #tpu.memory_space<vmem>>
        %dma_start3A_395 = arith.constant 0 : i32
        %dma_start3A_396 = tpu.memref_slice %arg5[%add3A_389, %dma_start3A_395] : memref<125x80xi32, #tpu.memory_space<vmem>> -> memref<1x80xi32, #tpu.memory_space<vmem>>
        %dma_start3A_397 = tpu.memref_squeeze %dma_start3A_396 : memref<1x80xi32, #tpu.memory_space<vmem>> -> memref<80xi32, #tpu.memory_space<vmem>>
        %dma_start3A_398 = arith.constant 0 : i32
        %dma_start3A_399 = arith.constant 0 : i32
        %dma_start3A_400 = tpu.memref_slice %arg7[%dma_start3A_398, %dma_start3A_399] : memref<10000x128xf32, #tpu.memory_space<vmem_shared>> -> memref<10000x128xf32, #tpu.memory_space<vmem_shared>>
        tpu.enqueue_indirect_dma source(%dma_start3A_400 : memref<10000x128xf32, #tpu.memory_space<vmem_shared>>) target(%dma_start3A_394 : memref<80x128xf32, #tpu.memory_space<vmem>>) offsets(%dma_start3A_397 : memref<80xi32, #tpu.memory_space<vmem>>) semaphore(%arg9 : memref<!tpu.dma_semaphore, #tpu.memory_space<semaphore_mem>>)
      } else {
      }
      %lt3A_351 = arith.constant 125 : i32
      %lt3A_352 = arith.cmpi slt, %add3A_338, %lt3A_351 : i32
      %convert_element_type3A_353 = arith.extui %lt3A_352 : i1 to i32
      %cond3A_354 = arith.constant 0 : i32
      %cond3A_355 = arith.cmpi ne, %convert_element_type3A_353, %cond3A_354 : i32
      scf.if %cond3A_355 {
        %dma_wait3A = arith.constant 0 : i32
        %dma_wait3A_388 = arith.constant 0 : i32
        %dma_wait3A_389 = arith.constant 0 : i32
        %dma_wait3A_390 = tpu.memref_slice %arg6[%dma_wait3A, %dma_wait3A_388, %dma_wait3A_389] : memref<2x80x128xf32, #tpu.memory_space<vmem>> -> memref<1x80x128xf32, #tpu.memory_space<vmem>>
        %dma_wait3A_391 = tpu.memref_squeeze %dma_wait3A_390 : memref<1x80x128xf32, #tpu.memory_space<vmem>> -> memref<80x128xf32, #tpu.memory_space<vmem>>
        %dma_wait3A_392 = arith.constant 0 : i32
        %dma_wait3A_393 = arith.constant 0 : i32
        %dma_wait3A_394 = tpu.memref_slice %arg2[%dma_wait3A_392, %dma_wait3A_393] : memref<10000x128xf32, #tpu.memory_space<hbm>> -> memref<80x128xf32, #tpu.memory_space<hbm>>
        %dma_wait3A_395 = arith.constant 0 : i32
        %dma_wait3A_396 = arith.constant 0 : i32
        %dma_wait3A_397 = tpu.memref_slice %arg6[%dma_wait3A, %dma_wait3A_395, %dma_wait3A_396] : memref<2x80x128xf32, #tpu.memory_space<vmem>> -> memref<1x80x128xf32, #tpu.memory_space<vmem>>
        %dma_wait3A_398 = tpu.memref_squeeze %dma_wait3A_397 : memref<1x80x128xf32, #tpu.memory_space<vmem>> -> memref<80x128xf32, #tpu.memory_space<vmem>>
        %dma_wait3A_399 = arith.constant 0 : i32
        %dma_wait3A_400 = arith.constant 0 : i32
        %dma_wait3A_401 = tpu.memref_slice %arg2[%dma_wait3A_399, %dma_wait3A_400] : memref<10000x128xf32, #tpu.memory_space<hbm>> -> memref<80x128xf32, #tpu.memory_space<hbm>>
        tpu.wait_dma2 semaphore(%arg8 : memref<!tpu.dma_semaphore, #tpu.memory_space<semaphore_mem>>) src(%dma_wait3A_401 : memref<80x128xf32, #tpu.memory_space<hbm>>) dst(%dma_wait3A_398 : memref<80x128xf32, #tpu.memory_space<vmem>>)
      } else {
      }
      %lt3A_356 = arith.constant 125 : i32
      %lt3A_357 = arith.cmpi slt, %add3A_338, %lt3A_356 : i32
      %convert_element_type3A_358 = arith.extui %lt3A_357 : i1 to i32
      %cond3A_359 = arith.constant 0 : i32
      %cond3A_360 = arith.cmpi ne, %convert_element_type3A_358, %cond3A_359 : i32
      scf.if %cond3A_360 {
        %mul3A_388 = arith.constant 80 : i32
        %mul3A_389 = arith.muli %add3A_338, %mul3A_388 : i32
        %add3A_390 = arith.addi %mul3A_2, %mul3A_389 : i32
        %dma_start3A_391 = arith.constant 0 : i32
        %dma_start3A_392 = arith.constant 0 : i32
        %dma_start3A_393 = arith.constant 0 : i32
        %dma_start3A_394 = tpu.memref_slice %arg6[%dma_start3A_391, %dma_start3A_392, %dma_start3A_393] : memref<2x80x128xf32, #tpu.memory_space<vmem>> -> memref<1x80x128xf32, #tpu.memory_space<vmem>>
        %dma_start3A_395 = tpu.memref_squeeze %dma_start3A_394 : memref<1x80x128xf32, #tpu.memory_space<vmem>> -> memref<80x128xf32, #tpu.memory_space<vmem>>
        %dma_start3A_396 = arith.constant 0 : i32
        %dma_start3A_397 = tpu.memref_slice %arg4[%add3A_390, %dma_start3A_396] : memref<320000x128xf32, #tpu.memory_space<hbm>> -> memref<80x128xf32, #tpu.memory_space<hbm>>
        %dma_start3A_398 = arith.constant 0 : i32
        %dma_start3A_399 = tpu.memref_slice %arg4[%add3A_390, %dma_start3A_398] : memref<320000x128xf32, #tpu.memory_space<hbm>> -> memref<80x128xf32, #tpu.memory_space<hbm>>
        %dma_start3A_400 = arith.constant 0 : i32
        %dma_start3A_401 = arith.constant 0 : i32
        %dma_start3A_402 = tpu.memref_slice %arg6[%dma_start3A_391, %dma_start3A_400, %dma_start3A_401] : memref<2x80x128xf32, #tpu.memory_space<vmem>> -> memref<1x80x128xf32, #tpu.memory_space<vmem>>
        %dma_start3A_403 = tpu.memref_squeeze %dma_start3A_402 : memref<1x80x128xf32, #tpu.memory_space<vmem>> -> memref<80x128xf32, #tpu.memory_space<vmem>>
        tpu.enqueue_dma source(%dma_start3A_403 : memref<80x128xf32, #tpu.memory_space<vmem>>) target(%dma_start3A_399 : memref<80x128xf32, #tpu.memory_space<hbm>>) target_semaphore(%arg10 : memref<!tpu.dma_semaphore, #tpu.memory_space<semaphore_mem>>)
      } else {
      }
      %mul3A_361 = arith.constant 2 : i32
      %mul3A_362 = arith.muli %mul3A_361, %scan3A_333 : i32
      %add3A_363 = arith.constant 1 : i32
      %add3A_364 = arith.addi %mul3A_362, %add3A_363 : i32
      %ge3A_365 = arith.constant 1 : i32
      %ge3A_366 = arith.cmpi sge, %add3A_364, %ge3A_365 : i32
      %convert_element_type3A_367 = arith.extui %ge3A_366 : i1 to i32
      %cond3A_368 = arith.constant 0 : i32
      %cond3A_369 = arith.cmpi ne, %convert_element_type3A_367, %cond3A_368 : i32
      scf.if %cond3A_369 {
        %dma_wait3A = arith.constant 0 : i32
        %dma_wait3A_388 = arith.constant 0 : i32
        %dma_wait3A_389 = arith.constant 0 : i32
        %dma_wait3A_390 = tpu.memref_slice %arg6[%dma_wait3A, %dma_wait3A_388, %dma_wait3A_389] : memref<2x80x128xf32, #tpu.memory_space<vmem>> -> memref<1x80x128xf32, #tpu.memory_space<vmem>>
        %dma_wait3A_391 = tpu.memref_squeeze %dma_wait3A_390 : memref<1x80x128xf32, #tpu.memory_space<vmem>> -> memref<80x128xf32, #tpu.memory_space<vmem>>
        %dma_wait3A_392 = arith.constant 0 : i32
        %dma_wait3A_393 = tpu.memref_slice %arg4[%mul3A_2, %dma_wait3A_392] : memref<320000x128xf32, #tpu.memory_space<hbm>> -> memref<80x128xf32, #tpu.memory_space<hbm>>
        %dma_wait3A_394 = arith.constant 0 : i32
        %dma_wait3A_395 = tpu.memref_slice %arg4[%mul3A_2, %dma_wait3A_394] : memref<320000x128xf32, #tpu.memory_space<hbm>> -> memref<80x128xf32, #tpu.memory_space<hbm>>
        %dma_wait3A_396 = arith.constant 0 : i32
        %dma_wait3A_397 = arith.constant 0 : i32
        %dma_wait3A_398 = tpu.memref_slice %arg6[%dma_wait3A, %dma_wait3A_396, %dma_wait3A_397] : memref<2x80x128xf32, #tpu.memory_space<vmem>> -> memref<1x80x128xf32, #tpu.memory_space<vmem>>
        %dma_wait3A_399 = tpu.memref_squeeze %dma_wait3A_398 : memref<1x80x128xf32, #tpu.memory_space<vmem>> -> memref<80x128xf32, #tpu.memory_space<vmem>>
        tpu.wait_dma2 semaphore(%arg10 : memref<!tpu.dma_semaphore, #tpu.memory_space<semaphore_mem>>) src(%dma_wait3A_399 : memref<80x128xf32, #tpu.memory_space<vmem>>) dst(%dma_wait3A_395 : memref<80x128xf32, #tpu.memory_space<hbm>>)
      } else {
      }
      %add3A_370 = arith.constant 1 : i32
      %add3A_371 = arith.addi %add3A_364, %add3A_370 : i32
      %lt3A_372 = arith.constant 125 : i32
      %lt3A_373 = arith.cmpi slt, %add3A_371, %lt3A_372 : i32
      %convert_element_type3A_374 = arith.extui %lt3A_373 : i1 to i32
      %cond3A_375 = arith.constant 0 : i32
      %cond3A_376 = arith.cmpi ne, %convert_element_type3A_374, %cond3A_375 : i32
      scf.if %cond3A_376 {
        %add3A_388 = arith.constant 1 : i32
        %add3A_389 = arith.addi %add3A_364, %add3A_388 : i32
        %dma_start3A_390 = arith.constant 0 : i32
        %dma_start3A_391 = arith.constant 0 : i32
        %dma_start3A_392 = arith.constant 0 : i32
        %dma_start3A_393 = tpu.memref_slice %arg6[%dma_start3A_390, %dma_start3A_391, %dma_start3A_392] : memref<2x80x128xf32, #tpu.memory_space<vmem>> -> memref<1x80x128xf32, #tpu.memory_space<vmem>>
        %dma_start3A_394 = tpu.memref_squeeze %dma_start3A_393 : memref<1x80x128xf32, #tpu.memory_space<vmem>> -> memref<80x128xf32, #tpu.memory_space<vmem>>
        %dma_start3A_395 = arith.constant 0 : i32
        %dma_start3A_396 = tpu.memref_slice %arg5[%add3A_389, %dma_start3A_395] : memref<125x80xi32, #tpu.memory_space<vmem>> -> memref<1x80xi32, #tpu.memory_space<vmem>>
        %dma_start3A_397 = tpu.memref_squeeze %dma_start3A_396 : memref<1x80xi32, #tpu.memory_space<vmem>> -> memref<80xi32, #tpu.memory_space<vmem>>
        %dma_start3A_398 = arith.constant 0 : i32
        %dma_start3A_399 = arith.constant 0 : i32
        %dma_start3A_400 = tpu.memref_slice %arg7[%dma_start3A_398, %dma_start3A_399] : memref<10000x128xf32, #tpu.memory_space<vmem_shared>> -> memref<10000x128xf32, #tpu.memory_space<vmem_shared>>
        tpu.enqueue_indirect_dma source(%dma_start3A_400 : memref<10000x128xf32, #tpu.memory_space<vmem_shared>>) target(%dma_start3A_394 : memref<80x128xf32, #tpu.memory_space<vmem>>) offsets(%dma_start3A_397 : memref<80xi32, #tpu.memory_space<vmem>>) semaphore(%arg8 : memref<!tpu.dma_semaphore, #tpu.memory_space<semaphore_mem>>)
      } else {
      }
      %lt3A_377 = arith.constant 125 : i32
      %lt3A_378 = arith.cmpi slt, %add3A_364, %lt3A_377 : i32
      %convert_element_type3A_379 = arith.extui %lt3A_378 : i1 to i32
      %cond3A_380 = arith.constant 0 : i32
      %cond3A_381 = arith.cmpi ne, %convert_element_type3A_379, %cond3A_380 : i32
      scf.if %cond3A_381 {
        %dma_wait3A = arith.constant 1 : i32
        %dma_wait3A_388 = arith.constant 0 : i32
        %dma_wait3A_389 = arith.constant 0 : i32
        %dma_wait3A_390 = tpu.memref_slice %arg6[%dma_wait3A, %dma_wait3A_388, %dma_wait3A_389] : memref<2x80x128xf32, #tpu.memory_space<vmem>> -> memref<1x80x128xf32, #tpu.memory_space<vmem>>
        %dma_wait3A_391 = tpu.memref_squeeze %dma_wait3A_390 : memref<1x80x128xf32, #tpu.memory_space<vmem>> -> memref<80x128xf32, #tpu.memory_space<vmem>>
        %dma_wait3A_392 = arith.constant 0 : i32
        %dma_wait3A_393 = arith.constant 0 : i32
        %dma_wait3A_394 = tpu.memref_slice %arg2[%dma_wait3A_392, %dma_wait3A_393] : memref<10000x128xf32, #tpu.memory_space<hbm>> -> memref<80x128xf32, #tpu.memory_space<hbm>>
        %dma_wait3A_395 = arith.constant 0 : i32
        %dma_wait3A_396 = arith.constant 0 : i32
        %dma_wait3A_397 = tpu.memref_slice %arg6[%dma_wait3A, %dma_wait3A_395, %dma_wait3A_396] : memref<2x80x128xf32, #tpu.memory_space<vmem>> -> memref<1x80x128xf32, #tpu.memory_space<vmem>>
        %dma_wait3A_398 = tpu.memref_squeeze %dma_wait3A_397 : memref<1x80x128xf32, #tpu.memory_space<vmem>> -> memref<80x128xf32, #tpu.memory_space<vmem>>
        %dma_wait3A_399 = arith.constant 0 : i32
        %dma_wait3A_400 = arith.constant 0 : i32
        %dma_wait3A_401 = tpu.memref_slice %arg2[%dma_wait3A_399, %dma_wait3A_400] : memref<10000x128xf32, #tpu.memory_space<hbm>> -> memref<80x128xf32, #tpu.memory_space<hbm>>
        tpu.wait_dma2 semaphore(%arg9 : memref<!tpu.dma_semaphore, #tpu.memory_space<semaphore_mem>>) src(%dma_wait3A_401 : memref<80x128xf32, #tpu.memory_space<hbm>>) dst(%dma_wait3A_398 : memref<80x128xf32, #tpu.memory_space<vmem>>)
      } else {
      }
      %lt3A_382 = arith.constant 125 : i32
      %lt3A_383 = arith.cmpi slt, %add3A_364, %lt3A_382 : i32
      %convert_element_type3A_384 = arith.extui %lt3A_383 : i1 to i32
      %cond3A_385 = arith.constant 0 : i32
      %cond3A_386 = arith.cmpi ne, %convert_element_type3A_384, %cond3A_385 : i32
      scf.if %cond3A_386 {
        %mul3A_388 = arith.constant 80 : i32
        %mul3A_389 = arith.muli %add3A_364, %mul3A_388 : i32
        %add3A_390 = arith.addi %mul3A_2, %mul3A_389 : i32
        %dma_start3A_391 = arith.constant 1 : i32
        %dma_start3A_392 = arith.constant 0 : i32
        %dma_start3A_393 = arith.constant 0 : i32
        %dma_start3A_394 = tpu.memref_slice %arg6[%dma_start3A_391, %dma_start3A_392, %dma_start3A_393] : memref<2x80x128xf32, #tpu.memory_space<vmem>> -> memref<1x80x128xf32, #tpu.memory_space<vmem>>
        %dma_start3A_395 = tpu.memref_squeeze %dma_start3A_394 : memref<1x80x128xf32, #tpu.memory_space<vmem>> -> memref<80x128xf32, #tpu.memory_space<vmem>>
        %dma_start3A_396 = arith.constant 0 : i32
        %dma_start3A_397 = tpu.memref_slice %arg4[%add3A_390, %dma_start3A_396] : memref<320000x128xf32, #tpu.memory_space<hbm>> -> memref<80x128xf32, #tpu.memory_space<hbm>>
        %dma_start3A_398 = arith.constant 0 : i32
        %dma_start3A_399 = tpu.memref_slice %arg4[%add3A_390, %dma_start3A_398] : memref<320000x128xf32, #tpu.memory_space<hbm>> -> memref<80x128xf32, #tpu.memory_space<hbm>>
        %dma_start3A_400 = arith.constant 0 : i32
        %dma_start3A_401 = arith.constant 0 : i32
        %dma_start3A_402 = tpu.memref_slice %arg6[%dma_start3A_391, %dma_start3A_400, %dma_start3A_401] : memref<2x80x128xf32, #tpu.memory_space<vmem>> -> memref<1x80x128xf32, #tpu.memory_space<vmem>>
        %dma_start3A_403 = tpu.memref_squeeze %dma_start3A_402 : memref<1x80x128xf32, #tpu.memory_space<vmem>> -> memref<80x128xf32, #tpu.memory_space<vmem>>
        tpu.enqueue_dma source(%dma_start3A_403 : memref<80x128xf32, #tpu.memory_space<vmem>>) target(%dma_start3A_399 : memref<80x128xf32, #tpu.memory_space<hbm>>) target_semaphore(%arg11 : memref<!tpu.dma_semaphore, #tpu.memory_space<semaphore_mem>>)
      } else {
      }
      %scan3A_387 = arith.constant 0 : i32
      scf.yield %scan3A_387 : i32
    }
    %scan3A_332 = arith.constant 62 : i32
    return
  }
}

</mosaic_0001>

<sc_bundles>
// kernel: kernel.3.cloned.1.call-start
scs
__scs_entry_jumppad:
0x0: {  	(pc) =	sbr.rel $0x88, $3  }
0x1: {  	(tag) =	ssettag $0x0;
	lr =	simm.s32 $0x1  }
0x2: {  	[smem:$0x3F9F] =	sst lr;
	_ =	strace $0xD0000000  }
0x3: {  	_ = 	snop  }
0x4: {  	_ = 	snop  }
0x5: {  	_ = 	snop  }
0x6: {  	_ = 	snop  }
0x7: {  	_ = 	snop  }
__scs_overlays_trampoline_lowered:
0x8: {  	[smem:$0x3FAE] =	sst s0  }
0x9: {  	[smem:$0x3FAF] =	sst s1  }
0xa: {  	[smem:$0x3FB0] =	sst s2  }
0xb: {  	[smem:$0x3FB1] =	sst s3  }
0xc: {  	[smem:$0x3FB2] =	sst s4  }
0xd: {  	[smem:$0x3FB3] =	sst s5  }
0xe: {  	[smem:$0x3FB4] =	sst s6  }
0xf: {  	[smem:$0x3FB5] =	sst s7  }
0x10: {  	[smem:$0x3FB6] =	sst s8  }
0x11: {  	[smem:$0x3FB7] =	sst s9;
	s0 =	simm.s32 @!p0 $0x0  }
0x12: {  	s1 =	sld [smem:$0x3F9D];
	s0 =	simm.s32 @p0 $0x1  }
0x13: {  	[smem:$0x3FB8] =	sst s0;
	s0 =	simm.s32 @!p1 $0x0  }
0x14: {  	s2 =	sld [smem:$0x3F9C];
	s0 =	simm.s32 @p1 $0x1  }
0x15: {  	[smem:$0x3FB9] =	sst s0;
	s0 =	simm.s32 @!p2 $0x0  }
0x16: {  	s3 =	sld [smem:$0x3FDB];
	s0 =	simm.s32 @p2 $0x1  }
0x17: {  	s4 =	simm.s32 $0x1BF5;
	[smem:$0x3FBB] =	sst s0  }
0x18: {  	s0 =	sld [smem:$0x3F9E];
	_ =	swait.ge [sflag:s4], $0x0  }
0x19: {  	s7 =	sld [smem:$0x3F9F]  }
0x1a: {  	s8 =	sadd.s32 $0xFFFFE003, lr  }
0x1b: {  	s9 =	sadd.s32 $0xFFFFFEF7, lr;
	s5 =	simm.s32 $0xFFFFFFFF;
	p2 =	slt.u32 s8, $0xFFFFF086  }
0x1c: {  	p1 =	slt.u32 s9, $0xF7A;
	s5 =	simm.s32 @!p2 $0x0  }
0x1d: {  	s5 =	simm.s32 @p1 $0x1;
	p0 =	seq.s32 s7, s2  }
0x1e: {  	s7 =	smul.u32 @!p0 $0xF7A, s2;
	p2 =	seq.s32 @!p0 s5, $0x0  }
0x1f: {  	s9 =	smul.u32 $0xF7A, s1;
	s8 =	simm.s32 @!p0 $0x1BF5;
	p2 =	por !p2, p0  }
0x20: {  	[sflag:s8] =	ssyncset.s32 @!p0 $0xFFFFF086;
	s6 =	sadd.s32 @!p0 s3, s7;
	s7 =	simm.s32 @!p0 $0x108  }
0x21: {  	s3 =	sadd.s32 s3, s9;
	s6 =	sadd.s32 @!p0 $0x88, s6;
	s7 =	simm.s32 @p2 $0x1082  }
0x22: {  	[simem:s7], [sflag:s8] =	dma.local @!p0 [hbm:s6], $0xF7A  }
0x23: {  	s9 =	sor.u32 $0xD0000000, s2;
	s6 =	simm.s32 $0x108;
	_ =	swait.ge @!p0 [sflag:s8], $0x0  }
0x24: {  	s3 =	sadd.s32 $0x88, s3;
	s6 =	simm.s32 @!p1 $0x1082;
	[sflag:s4] =	ssyncset.s32 $0xFFFFF086  }
0x25: {  	[simem:s6], [sflag:s4] =	dma.local [hbm:s3], $0xF7A  }
0x26: {  	[smem:$0x3F9F] =	sst s1;
	(tag) =	ssettag s2;
	_ =	strace s9  }
0x27: {  	s1 =	sld [smem:$0x3FAF]  }
0x28: {  	s2 =	sld [smem:$0x3FB0]  }
0x29: {  	s4 =	sld [smem:$0x3FB2]  }
0x2a: {  	p0 =	seq.s32 s5, $0x0;
	s5 =	sld [smem:$0x3FB3]  }
0x2b: {  	s6 =	sld [smem:$0x3FB4]  }
0x2c: {  	s7 =	sld [smem:$0x3FB5]  }
0x2d: {  	s3 =	simm.s32 $0x108;
	s8 =	sld [smem:$0x3FB6]  }
0x2e: {  	s3 =	simm.s32 @!p0 $0x1082;
	s9 =	sld [smem:$0x3FB7]  }
0x2f: {  	lr =	sadd.s32 s0, s3;
	s0 =	sld [smem:$0x3FAE]  }
0x30: {  	s3 =	sld [smem:$0x3FB1]  }
0x31: {  	[smem:$0x3FBA] =	sst s10  }
0x32: {  	s10 =	sld [smem:$0x3FB8];
	_ =	sdelay $0x3  }
0x33: {  	p0 =	seq.s32 s10, $0x1;
	s10 =	sld [smem:$0x3FBA];
	_ =	sdelay $0x3  }
0x34: {  	[smem:$0x3FBA] =	sst s10  }
0x35: {  	s10 =	sld [smem:$0x3FB9];
	_ =	sdelay $0x3  }
0x36: {  	p1 =	seq.s32 s10, $0x1;
	s10 =	sld [smem:$0x3FBA];
	_ =	sdelay $0x3  }
0x37: {  	[smem:$0x3FBA] =	sst s10  }
0x38: {  	s10 =	sld [smem:$0x3FBB]  }
0x39: {  	_ = 	snop;
	(pc) =	sbr.ind lr, $3  }
0x3a: {  	_ = 	snop  }
0x3b: {  	_ = 	snop  }
0x3c: {  	p2 =	seq.s32 s10, $0x1;
	s10 =	sld [smem:$0x3FBA]  }
0x3d: {  	_ =	shalt  }
0x3e: {  	_ =	shalt  }
0x3f: {  	_ =	shalt  }
0x40: {  	_ =	shalt  }
0x41: {  	_ =	shalt  }
0x42: {  	_ =	shalt  }
0x43: {  	_ =	shalt  }
0x44: {  	_ =	shalt  }
0x45: {  	_ =	shalt  }
0x46: {  	_ =	shalt  }
0x47: {  	_ =	shalt  }
0x48: {  	_ =	shalt  }
0x49: {  	_ =	shalt  }
0x4a: {  	_ =	shalt  }
0x4b: {  	_ =	shalt  }
0x4c: {  	_ =	shalt  }
0x4d: {  	_ =	shalt  }
0x4e: {  	_ =	shalt  }
0x4f: {  	_ =	shalt  }
0x50: {  	_ =	shalt  }
0x51: {  	_ =	shalt  }
0x52: {  	_ =	shalt  }
0x53: {  	_ =	shalt  }
0x54: {  	_ =	shalt  }
0x55: {  	_ =	shalt  }
0x56: {  	_ =	shalt  }
0x57: {  	_ =	shalt  }
0x58: {  	_ =	shalt  }
0x59: {  	_ =	shalt  }
0x5a: {  	_ =	shalt  }
0x5b: {  	_ =	shalt  }
0x5c: {  	_ =	shalt  }
0x5d: {  	_ =	shalt  }
0x5e: {  	_ =	shalt  }
0x5f: {  	_ =	shalt  }
0x60: {  	_ =	shalt  }
0x61: {  	_ =	shalt  }
0x62: {  	_ =	shalt  }
0x63: {  	_ =	shalt  }
0x64: {  	_ =	shalt  }
0x65: {  	_ =	shalt  }
0x66: {  	_ =	shalt  }
0x67: {  	_ =	shalt  }
0x68: {  	_ =	shalt  }
0x69: {  	_ =	shalt  }
0x6a: {  	_ =	shalt  }
0x6b: {  	_ =	shalt  }
0x6c: {  	_ =	shalt  }
0x6d: {  	_ =	shalt  }
0x6e: {  	_ =	shalt  }
0x6f: {  	_ =	shalt  }
0x70: {  	_ =	shalt  }
0x71: {  	_ =	shalt  }
0x72: {  	_ =	shalt  }
0x73: {  	_ =	shalt  }
0x74: {  	_ =	shalt  }
0x75: {  	_ =	shalt  }
0x76: {  	_ =	shalt  }
0x77: {  	_ =	shalt  }
0x78: {  	_ =	shalt  }
0x79: {  	_ =	shalt  }
0x7a: {  	_ =	shalt  }
0x7b: {  	_ =	shalt  }
0x7c: {  	_ =	shalt  }
0x7d: {  	_ =	shalt  }
0x7e: {  	_ =	shalt  }
0x7f: {  	_ =	shalt  }
0x80: {  	_ =	shalt  }
0x81: {  	_ =	shalt  }
0x82: {  	_ =	shalt  }
0x83: {  	_ =	shalt  }
0x84: {  	_ =	shalt  }
0x85: {  	_ =	shalt  }
0x86: {  	_ =	shalt  }
0x87: {  	_ =	shalt  }
.Lfunc_end0:
.L_simem_size_0:
called_computation_lowered:
.L_overlay_start_0:
0x88: {  	s2 =	sld [smem:$0x3FD9]  }
0x89: {  	s3 =	sld [smem:$0x3FFE];
	_ =	sdelay $0x1  }
0x8a: {  	s1 =	srdreg.scid  }
0x8b: {  	s0 =	sand.u32 $0x1, s1  }
0x8c: {  	s17 =	sshll.u32 s0, $0xA;
	s2 =	sadd.s32 s3, s2  }
0x8d: {  	s2 =	sadd.s32 s2, s17  }
0x8e: {  	[smem:$0x3FC6] =	sst s2  }
0x8f: {  	_ = 	snop  }
0x90: {  	s2 =	sld [smem:$0x3FC9]  }
0x91: {  	s18 =	sld [smem:$0x3FD0];
	(tm) =	ssettm $0x1  }
0x92: {  	s4 =	sld [smem:$0x3FFB];
	_ =	sdelay $0x3  }
0x93: {  	_ =	strace s4  }
0x94: {  	s4 =	sld [smem:$0x3FFC];
	_ =	sdelay $0x3  }
0x95: {  	_ =	strace s4  }
0x96: {  	s4 =	sld [smem:$0x3FFD];
	_ =	sdelay $0x3  }
0x97: {  	_ =	strace s4  }
0x98: {  	_ =	strace $0x8FFFFFFF  }
0x99: {  	s19 =	sld [smem:$0x3FDB];
	_ =	sdelay $0x1  }
0x9a: {  	s5 =	simm.s32 $_scs_section_size  }
0x9b: {  	s6 =	simm.s32 $_size__tile_overlayer_lowered;
	s7 =	simm.s32 $_tile_overlayer_lowered  }
0x9c: {  	s22 =	simm.s32 $0x1BFF;
	s21 =	sshll.u32 s7, $0x1;
	s4 =	sadd.s32 s5, s19  }
0x9d: {  	s8 =	simm.s32 $0x0;
	s20 =	sshll.u32 s6, $0x1;
	s6 =	sadd.s32 s21, s4  }
0x9e: {  	[timem:s8], [sflag:s22] =	dma.local [hbm:s6], s20  }
0x9f: {  	_ =	swait.ge [sflag:s22], s20  }
0xa0: {  	s5 =	ssub.s32 $0x0, s20;
	[sflag:s22] =	ssyncset.done $0x0  }
0xa1: {  	[sflag:s22] =	ssyncadd.s32 s5;
	_ =	sdelay $0x1  }
0xa2: {  	s23 =	simm.s32 $0x1B8B  }
0xa3: {  	_ =	swait.ge [sflag:s23], $0x1  }
0xa4: {  	[sflag:s23] =	ssyncset.done $0x0  }
0xa5: {  	s25 =	simm.s32 $0x1B8E;
	s24 =	sld [smem:$0x3FFE];
	[sflag:s23] =	ssyncadd.s32 $0xFFFFFFFF  }
0xa6: {  	s26 =	simm.s32 $execute0_lowered;
	[smem:$0x3FD2] =	sst s25  }
0xa7: {  	s6 =	sshll.u32 s26, $0x1;
	_ =	strace $0x80000046;
	[dreg:$0x1] =	wrdreg $0xFFFFFFFF  }
0xa8: {  	s28 =	simm.s32 $_size_execute0_lowered;
	s4 =	sadd.s32 s4, s6;
	[dreg:$0x0] =	wrdreg $0x0  }
0xa9: {  	s6 =	sshll.u32 s28, $0x1;
	[dreg:$0x2] =	wrdreg s4  }
0xaa: {  	[dreg:$0x3] =	wrdreg s6  }
0xab: {  	[dreg:$0x4] =	wrdreg $0xC0  }
0xac: {  	_ =	task [dreg:s8], $0x5FFFF  }
0xad: {  	[dreg:$0x1] =	wrdreg $0xFFFFFFFF  }
0xae: {  	[dreg:$0x0] =	wrdreg $0x60  }
0xaf: {  	[dreg:$0x2] =	wrdreg s2  }
0xb0: {  	[dreg:$0x3] =	wrdreg s24  }
0xb1: {  	[dreg:$0x4] =	wrdreg s18  }
0xb2: {  	[dreg:$0x5] =	wrdreg $0x90000  }
0xb3: {  	[dreg:$0x6] =	wrdreg $0x9  }
0xb4: {  	_ =	task.clear_ibuf [dreg:s8], $0x7FFFF;
	_ =	strace $0x90000046  }
0xb5: {  	s29 =	simm.s32 $0x9;
	_ =	strace $0x80000048  }
0xb6: {  	_ =	swait.ge [sflag:s29], $0x1  }
0xb7: {  	[sflag:s29] =	ssyncadd.s32 $0xFFFFFFFF  }
0xb8: {  	_ =	strace $0x90000048  }
0xb9: {  	_ =	sfence  }
0xba: {  	s30 =	sld [smem:$0x0];
	_ =	sdelay $0x2  }
0xbb: {  	s31 =	sshll.u32 s1, $0xD;
	s1 =	sshrl.u32 s1, $0x2  }
0xbc: {  	s3 =	sand.u32 $0x4000, s31;
	s1 =	sadd.s32 s1, s30  }
0xbd: {  	s0 =	sor.u32 s3, s0;
	s1 =	sshll.u32 s1, $0x11  }
0xbe: {  	s0 =	sor.u32 s1, s0  }
0xbf: {  	s0 =	sadd.s32 $0x8F2B, s0  }
0xc0: {  	[sflag:s0] =	ssyncadd.remote.s32 $0x1  }
0xc1: {  	_ =	sfence.sel $0xFFFF  }
0xc2: {  	[dreg:$0x0] =	wrdreg $0xFFFFFFFF;
	(pc) =	sbr.abs _section_cstart, $3  }
0xc3: {  	[dreg:$0x1] =	wrdreg $0xFFFFFFFF  }
0xc4: {  	_ =	task.clear_ibuf [dreg:s8], $0x2FFFF;
	_ =	strace $0x9FFFFFFF  }
0xc5: {  	(tm) =	ssettm $0x7FFFFFFF  }
tec
execute0_lowered:
.L_overlay_start_1:
0x0: {  	(tag) =	ssettag $0x1  }
0x1: {  	s1 =	rddreg [dreg:$0x0]  }
0x2: {  	s0 =	rddreg [dreg:$0x1]  }
0x3: {  	s5 =	rddreg [dreg:$0x2]  }
0x4: {  	s2 =	rddreg [dreg:$0x3]  }
0x5: {  	s6 =	srdreg.scid;
	s3 =	stileid.u32  }
0x6: {  	s4 =	simm.s32 $0x0;
	s6 =	sand.u32 $0x1, s6;
	s7 =	sshll.u32 s3, $0x1  }
0x7: {  	[smem:$0x7FF] =	sst s4;
	s29 =	sadd.s32 $0xBB800, s2;
	s11 =	sadd.s32 $0x57800, s2  }
0x8: {  	s16 =	sadd.s32 $0x19000, s2;
	s31 =	smul.u32 $0x4E200, s3;
	p2 =	sgt.s32 s3, $0x1  }
0x9: {  	s28 =	sadd.s32 $0x89800, s2;
	s7 =	sor.u32 s6, s7;
	s8 =	ssub.s32 $0x2, s6  }
0xa: {  	_ =	strace $0x80000047;
	[dreg:$0x5] =	wrdreg s29;
	s24 =	smul.u32 $0x27100, s6  }
0xb: {  	p0 =	seq.s32 @p2 s3, $0x2;
	[dreg:$0x1c] =	wrdreg s28;
	s29 =	sadd.s32 $0x11300, s1  }
0xc: {  	s28 =	sadd.s32 $0x22600, s1;
	s9 =	sshll.u32 s7, $0xB;
	s30 =	smul.u32 $0x27100, s7  }
0xd: {  	s10 =	sshrl.u32 s8, $0x1;
	s7 =	smul.u32 $0x138800, s7;
	[dreg:$0x1d] =	wrdreg s29  }
0xe: {  	p1 =	por !p0, !p2;
	[smem:$0x7FA] =	sst s28;
	s29 =	sadd.s32 $0x23F00, s1  }
0xf: {  	s0 =	sadd.s32 s9, s0;
	s10 =	ssub.s32 s8, s10;
	[smem:$0x7FB] =	sst s29  }
0x10: {  	s7 =	sshrl.u32 s7, $0x3;
	s8 =	sadd.s32 $0x400, s0;
	s0 =	sshrl.u32 @!p1 s16, $0x3  }
0x11: {  	s6 =	sadd.s32 s5, s30;
	s30 =	sadd.s32 $0x7D000, s2;
	[dreg:$0x6] =	wrdreg s0  }
0x12: {  	s16 =	sadd.s32 $0x7D00, s1;
	s25 =	sadd.s32 s5, s7;
	[dreg:$0x1e] =	wrdreg s30  }
0x13: {  	s5 =	sadd.s32 s31, s5;
	s31 =	sadd.s32 $0xFA00, s1;
	[smem:$0x7EF] =	sst s16  }
0x14: {  	s0 =	simm.s32 @!p1 $0x0;
	s30 =	sadd.s32 $0x12C000, s2;
	[dreg:$0x1f] =	wrdreg s31  }
0x15: {  	s12 =	sadd.s32 $0x4B000, s2;
	s0 =	simm.s32 @p1 $0x1;
	[smem:$0x7FC] =	sst s30  }
0x16: {  	s7 =	sadd.s32 s24, s5;
	s24 =	sadd.s32 $0x14500, s1;
	[smem:$0x7DD] =	sst s0  }
0x17: {  	s9 =	sadd.s32 $0x500, s25;
	s25 =	sadd.s32 $0x96000, s2;
	[dreg:$0x19] =	wrdreg s24  }
0x18: {  	s20 =	sadd.s32 $0xE1000, s2;
	s31 =	sadd.s32 $0x25800, s1;
	[dreg:$0x1a] =	wrdreg s25  }
0x19: {  	s13 =	sadd.s32 $0x3E800, s2;
	s0 =	sshrl.u32 @!p1 s20, $0x3;
	[smem:$0x7FD] =	sst s31  }
0x1a: {  	s14 =	sadd.s32 $0x32000, s2;
	s20 =	sadd.s32 $0x17700, s1;
	[dreg:$0x7] =	wrdreg s0  }
0x1b: {  	s15 =	sadd.s32 $0x25800, s2;
	s24 =	sadd.s32 $0x1DB00, s1;
	[dreg:$0x15] =	wrdreg s20  }
0x1c: {  	p1 =	por p0, !p2;
	s25 =	sadd.s32 $0x1F400, s1;
	[smem:$0x7F7] =	sst s24  }
0x1d: {  	s17 =	sadd.s32 $0xC800, s2;
	s0 =	sshrl.u32 @!p1 s15, $0x3;
	[smem:$0x7F8] =	sst s25  }
0x1e: {  	s18 =	sadd.s32 $0xC8000, s2;
	s15 =	sadd.s32 $0x9600, s1;
	[dreg:$0x8] =	wrdreg s0  }
0x1f: {  	s20 =	sadd.s32 $0x1900, s1;
	s0 =	simm.s32 @!p1 $0x0;
	[smem:$0x7EE] =	sst s15  }
0x20: {  	s21 =	sadd.s32 $0xED800, s2;
	[smem:$0x7F3] =	sst s20;
	s0 =	simm.s32 @p1 $0x1  }
0x21: {  	p0 =	seq.s32 @!p2 s3, $0x0;
	[smem:$0x7DE] =	sst s0;
	s0 =	sshrl.u32 @!p1 s21, $0x3  }
0x22: {  	p4 =	por !p0, p2;
	s21 =	sadd.s32 $0xAF000, s2;
	[dreg:$0x9] =	wrdreg s0  }
0x23: {  	s0 =	simm.s32 @!p4 $0x0;
	[dreg:$0x16] =	wrdreg s21;
	s21 =	sadd.s32 $0x19000, s1  }
0x24: {  	s19 =	sadd.s32 $0xD4800, s2;
	s0 =	simm.s32 @p4 $0x1;
	[smem:$0x7F4] =	sst s21  }
0x25: {  	s22 =	sadd.s32 $0xFA000, s2;
	[smem:$0x7DF] =	sst s0;
	s0 =	sshrl.u32 @!p4 s18, $0x3  }
0x26: {  	s18 =	sadd.s32 $0x4B00, s1;
	[dreg:$0xa] =	wrdreg s0;
	s0 =	simm.s32 @!p2 $0x0  }
0x27: {  	p0 =	por p0, p2;
	[smem:$0x7F1] =	sst s18;
	s0 =	simm.s32 @p2 $0x1  }
0x28: {  	s23 =	sadd.s32 $0x106800, s2;
	[smem:$0x7E0] =	sst s0;
	s0 =	sshrl.u32 @!p0 s17, $0x3  }
0x29: {  	s17 =	sadd.s32 $0x6400, s1;
	[dreg:$0xb] =	wrdreg s0;
	s0 =	simm.s32 @!p0 $0x0  }
0x2a: {  	p3 =	sgt.s32 s3, $0x5;
	[smem:$0x7F0] =	sst s17;
	s0 =	simm.s32 @p0 $0x1  }
0x2b: {  	p1 =	seq.s32 @p3 s3, $0x6;
	[smem:$0x7E1] =	sst s0;
	s0 =	sshrl.u32 @!p0 s19, $0x3  }
0x2c: {  	p2 =	por !p1, !p3;
	s19 =	sadd.s32 $0x3200, s1;
	[dreg:$0xc] =	wrdreg s0  }
0x2d: {  	s26 =	sadd.s32 $0x113000, s2;
	s0 =	sshrl.u32 @!p2 s12, $0x3;
	[smem:$0x7F2] =	sst s19  }
0x2e: {  	s12 =	sadd.s32 $0x64000, s2;
	[dreg:$0xd] =	wrdreg s0;
	s0 =	simm.s32 @!p2 $0x0  }
0x2f: {  	s10 =	smax.u32 s10, $0x1;
	[smem:$0x7EB] =	sst s12;
	s0 =	simm.s32 @p2 $0x1  }
0x30: {  	s16 =	simm.s32 $0x50;
	[smem:$0x7E2] =	sst s0;
	s0 =	sshrl.u32 @!p2 s26, $0x3  }
0x31: {  	p1 =	por p1, !p3;
	s26 =	sadd.s32 $0x12C00, s1;
	[dreg:$0xe] =	wrdreg s0  }
0x32: {  	s5 =	sadd.s32 $0x11F800, s2;
	s0 =	sshrl.u32 @!p1 s11, $0x3;
	[dreg:$0x1b] =	wrdreg s26  }
0x33: {  	s24 =	simm.s32 $0x4;
	s11 =	sadd.s32 $0xE100, s1;
	[dreg:$0xf] =	wrdreg s0  }
0x34: {  	s26 =	sadd.s32 $0x20D00, s1;
	s0 =	simm.s32 @!p1 $0x0;
	[smem:$0x7EA] =	sst s11  }
0x35: {  	s25 =	simm.s32 $0x0;
	[smem:$0x7F9] =	sst s26;
	s0 =	simm.s32 @p1 $0x1  }
0x36: {  	p0 =	seq.s32 @!p3 s3, $0x4;
	[smem:$0x7E3] =	sst s0;
	s0 =	sshrl.u32 @!p1 s5, $0x3  }
0x37: {  	p1 =	por !p0, p3;
	s5 =	sadd.s32 $0x70800, s2;
	[dreg:$0x10] =	wrdreg s0  }
0x38: {  	s15 =	simm.s32 $0x6;
	s0 =	sshrl.u32 @!p1 s14, $0x3;
	[smem:$0x7E9] =	sst s5  }
0x39: {  	s14 =	sadd.s32 $0xAF00, s1;
	[dreg:$0x11] =	wrdreg s0;
	s0 =	simm.s32 @!p1 $0x0  }
0x3a: {  	s20 =	simm.s32 $0x1;
	[smem:$0x7ED] =	sst s14;
	s0 =	simm.s32 @p1 $0x1  }
0x3b: {  	s21 =	simm.s32 $0x3;
	[smem:$0x7E4] =	sst s0;
	s0 =	sshrl.u32 @!p1 s22, $0x3  }
0x3c: {  	s18 =	simm.s32 $0x80;
	s22 =	sadd.s32 $0x15E00, s1;
	[dreg:$0x12] =	wrdreg s0  }
0x3d: {  	s0 =	simm.s32 @!p3 $0x0;
	[dreg:$0x17] =	wrdreg s22;
	s22 =	sadd.s32 $0x1A900, s1  }
0x3e: {  	p0 =	por p0, p3;
	s0 =	simm.s32 @p3 $0x1;
	[smem:$0x7F5] =	sst s22  }
0x3f: {  	s17 =	simm.s32 $0x4000;
	[smem:$0x7E5] =	sst s0;
	s0 =	sshrl.u32 @!p0 s13, $0x3  }
0x40: {  	s13 =	sadd.s32 $0xC800, s1;
	[dreg:$0x13] =	wrdreg s0;
	s0 =	simm.s32 @!p0 $0x0  }
0x41: {  	s19 =	simm.s32 $0x6800;
	[smem:$0x7EC] =	sst s13;
	s0 =	simm.s32 @p0 $0x1  }
0x42: {  	[smem:$0x7E6] =	sst s0;
	s0 =	sshrl.u32 @!p0 s23, $0x3;
	p0 =	sgt.s32 s3, $0x7  }
0x43: {  	s23 =	sadd.s32 $0xA2800, s2;
	[dreg:$0x14] =	wrdreg s0;
	s0 =	simm.s32 @!p0 $0x0  }
0x44: {  	[dreg:$0x18] =	wrdreg s23;
	s0 =	simm.s32 @p0 $0x1;
	p0 =	sgt.s32 s3, $0x3  }
0x45: {  	s23 =	sadd.s32 $0x1C200, s1;
	[smem:$0x7E7] =	sst s0;
	s0 =	simm.s32 @!p0 $0x0  }
0x46: {  	s14 =	sadd.s32 $0x26C00, s6;
	[smem:$0x7F6] =	sst s23;
	s0 =	simm.s32 @p0 $0x1  }
0x47: {  	s22 =	simm.s32 $0x2;
	s23 =	simm.s32 $0x100;
	[smem:$0x7E8] =	sst s0  }
.LBB2_1:
0x48: {  	s0 =	sld [smem:$0x7E7];
	_ =	sdelay $0x2  }
0x49: {  	p0 =	seq.s32 s0, $0x1  }
.Ltmp0:
0x4a: {  	_ = 	snop;
	(pc) =	sbr.rel @p0 .LBB2_5-.Ltmp0, $1  }
0x4b: {  	_ =	sdelay $0x3  }
0x4c: {  	s0 =	sld [smem:$0x7E8];
	_ =	sdelay $0x2  }
0x4d: {  	p0 =	seq.s32 s0, $0x1  }
.Ltmp1:
0x4e: {  	_ = 	snop;
	(pc) =	sbr.rel @p0 .LBB2_4-.Ltmp1, $1  }
0x4f: {  	_ =	sdelay $0x3  }
0x50: {  	s0 =	sld [smem:$0x7DD];
	_ =	sdelay $0x1  }
0x51: {  	s5 =	sld [smem:$0x7F2]  }
0x52: {  	p3 =	seq.s32 s0, $0x1  }
0x53: {  	s0 =	rddreg [dreg:$0x6];
	s26 =	simm.s32 @!p3 $0x1C85  }
0x54: {  	[spmem:s0], [sflag:s26] =	dma.local @!p3 [hbm:s5], $0x1900  }
0x55: {  	s5 =	sld [smem:$0x7F6]  }
0x56: {  	s26 =	sshll.u32 @!p3 s3, $0x6  }
0x57: {  	s26 =	sor.u32 @!p3 $0x1C05, s26;
	s0 =	rddreg [dreg:$0x7]  }
0x58: {  	[spmem:s0], [sflag:s26] =	dma.local @!p3 [hbm:s5], $0x1900  }
0x59: {  	s0 =	sld [smem:$0x7DE];
	_ =	sdelay $0x1  }
0x5a: {  	s5 =	sld [smem:$0x7F1]  }
0x5b: {  	p2 =	seq.s32 s0, $0x1  }
0x5c: {  	s0 =	rddreg [dreg:$0x8];
	s26 =	simm.s32 @!p2 $0x1CC5  }
0x5d: {  	[spmem:s0], [sflag:s26] =	dma.local @!p2 [hbm:s5], $0x1900  }
0x5e: {  	s5 =	sld [smem:$0x7F7]  }
0x5f: {  	s26 =	sshll.u32 @!p2 s3, $0x6  }
0x60: {  	s26 =	sor.u32 @!p2 $0x1C05, s26;
	s0 =	rddreg [dreg:$0x9]  }
0x61: {  	[spmem:s0], [sflag:s26] =	dma.local @!p2 [hbm:s5], $0x1900  }
0x62: {  	s0 =	sld [smem:$0x7DF];
	_ =	sdelay $0x2  }
0x63: {  	p6 =	seq.s32 s0, $0x1  }
0x64: {  	s26 =	sshrl.u32 @!p6 s2, $0x3;
	s28 =	simm.s32 @!p6 $0x1C05  }
0x65: {  	[spmem:s26], [sflag:s28] =	dma.local @!p6 [hbm:s1], $0x1900  }
0x66: {  	s5 =	sld [smem:$0x7F4];
	_ =	sdelay $0x1  }
0x67: {  	s0 =	rddreg [dreg:$0xa]  }
0x68: {  	[spmem:s0], [sflag:s28] =	dma.local @!p6 [hbm:s5], $0x1900  }
0x69: {  	s0 =	sld [smem:$0x7E1];
	_ =	sdelay $0x1  }
0x6a: {  	s5 =	sld [smem:$0x7F3]  }
0x6b: {  	p1 =	seq.s32 s0, $0x1  }
0x6c: {  	p0 =	por @!p2 $0x1, $0x1;
	s0 =	rddreg [dreg:$0xb];
	s26 =	simm.s32 @!p1 $0x1C45  }
0x6d: {  	[spmem:s0], [sflag:s26] =	dma.local @!p1 [hbm:s5], $0x1900  }
0x6e: {  	s0 =	simm.s32 @!p0 $0x0  }
0x6f: {  	p5 =	por @!p3 $0x0, $0x0;
	s0 =	simm.s32 @p0 $0x1;
	s5 =	sld [smem:$0x7F5]  }
0x70: {  	p4 =	por @!p2 $0x0, $0x0;
	s26 =	sshll.u32 @!p1 s3, $0x6;
	[smem:$0x7D6] =	sst s0  }
0x71: {  	p4 =	por @!p3 p5, p5;
	s26 =	sor.u32 @!p1 $0x1C05, s26;
	s0 =	rddreg [dreg:$0xc]  }
0x72: {  	[spmem:s0], [sflag:s26] =	dma.local @!p1 [hbm:s5], $0x1900  }
0x73: {  	p5 =	por @!p3 $0x1, $0x1;
	p0 =	por @!p2 $0x0, $0x0;
	s28 =	sld [smem:$0x7D6]  }
0x74: {  	p0 =	por @!p3 p5, p5  }
0x75: {  	s0 =	simm.s32 @!p0 $0x0  }
0x76: {  	s0 =	simm.s32 @p0 $0x1;
	p0 =	por @!p3 $0x0, $0x0;
	p2 =	seq.s32 s28, $0x1  }
0x77: {  	p5 =	por @!p1 $0x1, $0x1;
	s30 =	sld [smem:$0x7E0];
	p2 =	por @!p3 p0, p0  }
0x78: {  	[smem:$0x7CE] =	sst s0;
	p3 =	por @!p1 $0x0, $0x0;
	s0 =	simm.s32 @!p2 $0x0  }
0x79: {  	p0 =	por p4, p4;
	s0 =	simm.s32 @p2 $0x1;
	p2 =	por @!p6 $0x0, $0x0  }
0x7a: {  	p5 =	por @!p6 p2, p2;
	p3 =	por @!p6 p2, p2;
	p6 =	seq.s32 s30, $0x1  }
0x7b: {  	p0 =	por @!p6 p5, p5  }
0x7c: {  	[smem:$0x7D6] =	sst s0;
	p2 =	por p4, p4;
	s0 =	simm.s32 @!p0 $0x0  }
0x7d: {  	p2 =	por @!p6 p3, p3;
	s0 =	simm.s32 @p0 $0x1  }
0x7e: {  	p5 =	por p4, p4;
	[smem:$0x7CF] =	sst s0;
	s0 =	simm.s32 @!p2 $0x0  }
0x7f: {  	p5 =	por @!p6 p3, p3;
	s0 =	simm.s32 @p2 $0x1  }
0x80: {  	p0 =	por p4, p4;
	[smem:$0x7D0] =	sst s0;
	s0 =	simm.s32 @!p5 $0x0  }
0x81: {  	p0 =	por @!p6 p3, p3;
	s0 =	simm.s32 @p5 $0x1  }
0x82: {  	p2 =	por p4, p4;
	[smem:$0x7D1] =	sst s0;
	s0 =	simm.s32 @!p0 $0x0  }
0x83: {  	p2 =	por @!p6 p3, p3;
	s0 =	simm.s32 @p0 $0x1  }
0x84: {  	p5 =	por p4, p4;
	[smem:$0x7D2] =	sst s0;
	s0 =	simm.s32 @!p2 $0x0  }
0x85: {  	s31 =	sld [smem:$0x7D6];
	p5 =	por @!p6 p3, p3;
	s0 =	simm.s32 @p2 $0x1  }
0x86: {  	p2 =	por p4, p4;
	[smem:$0x7D3] =	sst s0;
	s0 =	simm.s32 @!p5 $0x0  }
0x87: {  	p2 =	por @!p6 p3, p3;
	s0 =	simm.s32 @p5 $0x1  }
0x88: {  	p0 =	seq.s32 s31, $0x1;
	[smem:$0x7D4] =	sst s0;
	s0 =	simm.s32 @!p2 $0x0  }
0x89: {  	p0 =	por @!p6 p3, p3;
	s0 =	simm.s32 @p2 $0x1  }
0x8a: {  	p2 =	por p4, p4;
	[smem:$0x7D5] =	sst s0;
	s0 =	simm.s32 @!p0 $0x0  }
0x8b: {  	p2 =	por @!p6 p3, p3;
	s0 =	simm.s32 @p0 $0x1  }
0x8c: {  	p0 =	por p4, p4;
	[smem:$0x7D6] =	sst s0;
	s0 =	simm.s32 @!p2 $0x0  }
0x8d: {  	p0 =	por @!p6 p3, p3;
	s0 =	simm.s32 @p2 $0x1  }
0x8e: {  	p2 =	por p4, p4;
	[smem:$0x7D7] =	sst s0;
	s0 =	simm.s32 @!p0 $0x0  }
0x8f: {  	p2 =	por @!p6 p3, p3;
	s0 =	simm.s32 @p0 $0x1  }
0x90: {  	p0 =	por p4, p4;
	[smem:$0x7D8] =	sst s0;
	s0 =	simm.s32 @!p2 $0x0  }
0x91: {  	p0 =	por @!p6 p3, p3;
	s0 =	simm.s32 @p2 $0x1  }
0x92: {  	[smem:$0x7D9] =	sst s0;
	s0 =	simm.s32 @!p0 $0x0  }
0x93: {  	s0 =	simm.s32 @p0 $0x1;
	p0 =	por p4, p4  }
0x94: {  	s29 =	sld [smem:$0x7CE];
	p0 =	por @!p6 p3, p3  }
.Ltmp2:
0x95: {  	[smem:$0x7DA] =	sst s0;
	s0 =	simm.s32 @!p0 $0x0;
	(pc) =	sbr.rel .LBB2_8-.Ltmp2, $4  }
0x96: {  	p4 =	por @!p6 p3, p3;
	s0 =	simm.s32 @p0 $0x1  }
0x97: {  	[smem:$0x7DB] =	sst s0;
	s0 =	simm.s32 @!p4 $0x0  }
0x98: {  	p1 =	seq.s32 s29, $0x1;
	s0 =	simm.s32 @p4 $0x1  }
0x99: {  	p1 =	por @!p6 p3, p3;
	[smem:$0x7DC] =	sst s0  }
.LBB2_5:
0x9a: {  	p0 =	sgt.s32 s3, $0xB  }
.Ltmp3:
0x9b: {  	_ = 	snop;
	(pc) =	sbr.rel @p0 .LBB2_7-.Ltmp3, $1  }
0x9c: {  	_ =	sdelay $0x3  }
0x9d: {  	p5 =	sgt.s32 s3, $0x9  }
0x9e: {  	p0 =	seq.s32 @p5 s3, $0xA  }
0x9f: {  	s0 =	rddreg [dreg:$0x1e];
	p1 =	por !p0, !p5  }
0xa0: {  	s26 =	sshrl.u32 @!p1 s0, $0x3;
	s28 =	simm.s32 @!p1 $0x1E85;
	s0 =	rddreg [dreg:$0x1f]  }
0xa1: {  	[spmem:s26], [sflag:s28] =	dma.local @!p1 [hbm:s0], $0x1900  }
0xa2: {  	p3 =	por p0, !p5;
	s0 =	rddreg [dreg:$0x1c]  }
0xa3: {  	s28 =	simm.s32 @!p3 $0x1EC5;
	s26 =	sshrl.u32 @!p3 s0, $0x3;
	s0 =	rddreg [dreg:$0x1d]  }
0xa4: {  	[spmem:s26], [sflag:s28] =	dma.local @!p3 [hbm:s0], $0x1900  }
0xa5: {  	s0 =	simm.s32 @!p3 $0x0  }
0xa6: {  	s0 =	simm.s32 @p3 $0x1  }
0xa7: {  	[smem:$0x7CD] =	sst s0  }
0xa8: {  	s0 =	sld [smem:$0x7EB]  }
0xa9: {  	p0 =	seq.s32 @!p5 s3, $0x8  }
0xaa: {  	p2 =	por !p0, p5  }
0xab: {  	s26 =	sshrl.u32 @!p2 s0, $0x3;
	s0 =	sld [smem:$0x7EC];
	_ =	sdelay $0x1  }
0xac: {  	s28 =	simm.s32 @!p2 $0x1E05  }
0xad: {  	[spmem:s26], [sflag:s28] =	dma.local @!p2 [hbm:s0], $0x1900  }
0xae: {  	s0 =	sld [smem:$0x7FC];
	_ =	sdelay $0x2  }
0xaf: {  	s28 =	sshrl.u32 @!p2 s0, $0x3;
	s0 =	sld [smem:$0x7FD]  }
0xb0: {  	s26 =	sshll.u32 @!p2 s3, $0x6  }
0xb1: {  	s26 =	sor.u32 @!p2 $0x1C05, s26  }
0xb2: {  	[spmem:s28], [sflag:s26] =	dma.local @!p2 [hbm:s0], $0x1900  }
0xb3: {  	s0 =	sld [smem:$0x7E9];
	_ =	sdelay $0x1  }
0xb4: {  	p4 =	por p0, p5  }
0xb5: {  	s26 =	sshrl.u32 @!p4 s0, $0x3;
	s0 =	sld [smem:$0x7EA];
	_ =	sdelay $0x1  }
0xb6: {  	s28 =	simm.s32 @!p4 $0x1E45  }
0xb7: {  	[spmem:s26], [sflag:s28] =	dma.local @!p4 [hbm:s0], $0x1900  }
0xb8: {  	p6 =	por @!p1 $0x1, $0x1;
	p3 =	por @!p3 $0x0, $0x0;
	s29 =	sld [smem:$0x7CD]  }
0xb9: {  	p0 =	por p3, p3;
	p3 =	por @!p1 p6, p6  }
0xba: {  	s0 =	simm.s32 @!p3 $0x0  }
0xbb: {  	s0 =	simm.s32 @p3 $0x1;
	p3 =	seq.s32 s29, $0x1  }
0xbc: {  	p3 =	por @!p3 $0x1, $0x1  }
0xbd: {  	[smem:$0x7D2] =	sst s0;
	s0 =	simm.s32 @!p3 $0x0  }
0xbe: {  	s0 =	simm.s32 @p3 $0x1  }
0xbf: {  	[smem:$0x7DA] =	sst s0  }
0xc0: {  	s0 =	sld [smem:$0x7DA];
	_ =	sdelay $0x1  }
0xc1: {  	p6 =	por @!p1 $0x0, $0x0  }
0xc2: {  	p0 =	por @!p1 p6, p6;
	p3 =	por @!p1 $0x0, $0x0;
	p6 =	seq.s32 s0, $0x1  }
0xc3: {  	p6 =	por @!p1 p3, p3  }
0xc4: {  	s0 =	simm.s32 @!p6 $0x0  }
0xc5: {  	s0 =	simm.s32 @p6 $0x1  }
0xc6: {  	[smem:$0x7DA] =	sst s0;
	s0 =	simm.s32 @!p0 $0x0  }
0xc7: {  	s0 =	simm.s32 @p0 $0x1  }
0xc8: {  	[smem:$0x7D3] =	sst s0  }
0xc9: {  	p1 =	por @!p2 $0x1, $0x1;
	p6 =	por @!p4 $0x0, $0x0;
	s0 =	sld [smem:$0x7D3]  }
0xca: {  	p3 =	por p6, p6;
	p6 =	por @!p2 p1, p1;
	p1 =	por @!p2 $0x0, $0x0  }
0xcb: {  	p4 =	por @!p4 $0x1, $0x1;
	p3 =	por @!p2 p1, p1;
	p1 =	por @!p2 $0x0, $0x0  }
0xcc: {  	p4 =	por @!p2 p1, p1;
	p1 =	seq.s32 s0, $0x1  }
0xcd: {  	p1 =	por @!p5 p6, p6  }
0xce: {  	p2 =	por p0, p0;
	s0 =	simm.s32 @!p1 $0x0  }
0xcf: {  	p2 =	por @!p5 p4, p4;
	s0 =	simm.s32 @p1 $0x1  }
0xd0: {  	p1 =	por p0, p0;
	[smem:$0x7D3] =	sst s0;
	s0 =	simm.s32 @!p2 $0x0  }
0xd1: {  	p1 =	por @!p5 p3, p3;
	s0 =	simm.s32 @p2 $0x1  }
0xd2: {  	[smem:$0x7D9] =	sst s0;
	s0 =	simm.s32 @!p1 $0x0  }
0xd3: {  	s30 =	sld [smem:$0x7D2];
	s0 =	simm.s32 @p1 $0x1;
	p1 =	por p0, p0  }
0xd4: {  	p1 =	por @!p5 p3, p3  }
0xd5: {  	[smem:$0x7D0] =	sst s0;
	s0 =	simm.s32 @!p1 $0x0  }
0xd6: {  	s0 =	simm.s32 @p1 $0x1;
	p1 =	seq.s32 s30, $0x1  }
0xd7: {  	p1 =	por @!p5 p3, p3  }
0xd8: {  	p2 =	por p0, p0;
	[smem:$0x7D1] =	sst s0;
	s0 =	simm.s32 @!p1 $0x0  }
0xd9: {  	p2 =	por @!p5 p3, p3;
	s0 =	simm.s32 @p1 $0x1  }
0xda: {  	p1 =	por p0, p0;
	[smem:$0x7D2] =	sst s0;
	s0 =	simm.s32 @!p2 $0x0  }
0xdb: {  	p1 =	por @!p5 p3, p3;
	s0 =	simm.s32 @p2 $0x1  }
0xdc: {  	p2 =	por p0, p0;
	[smem:$0x7D4] =	sst s0;
	s0 =	simm.s32 @!p1 $0x0  }
0xdd: {  	p2 =	por @!p5 p3, p3;
	s0 =	simm.s32 @p1 $0x1  }
0xde: {  	[smem:$0x7D5] =	sst s0;
	s0 =	simm.s32 @!p2 $0x0  }
0xdf: {  	s0 =	simm.s32 @p2 $0x1;
	p2 =	por p0, p0  }
0xe0: {  	p2 =	por @!p5 p3, p3  }
0xe1: {  	p4 =	por p0, p0;
	[smem:$0x7CF] =	sst s0;
	s0 =	simm.s32 @!p2 $0x0  }
0xe2: {  	s31 =	sld [smem:$0x7DA];
	p4 =	por @!p5 p3, p3;
	s0 =	simm.s32 @p2 $0x1  }
0xe3: {  	[smem:$0x7D6] =	sst s0;
	s0 =	simm.s32 @!p4 $0x0  }
0xe4: {  	s0 =	simm.s32 @p4 $0x1;
	p4 =	por p0, p0  }
0xe5: {  	p4 =	por @!p5 p3, p3  }
0xe6: {  	p2 =	seq.s32 s31, $0x1;
	[smem:$0x7D7] =	sst s0;
	s0 =	simm.s32 @!p4 $0x0  }
0xe7: {  	p2 =	por @!p5 p3, p3;
	s0 =	simm.s32 @p4 $0x1  }
0xe8: {  	[smem:$0x7D8] =	sst s0;
	s0 =	simm.s32 @!p2 $0x0  }
0xe9: {  	s0 =	simm.s32 @p2 $0x1;
	p2 =	por p0, p0  }
0xea: {  	p2 =	por @!p5 p3, p3  }
.Ltmp4:
0xeb: {  	[smem:$0x7DA] =	sst s0;
	s0 =	simm.s32 @!p2 $0x0;
	(pc) =	sbr.rel .LBB2_8-.Ltmp4, $4  }
0xec: {  	p1 =	por p0, p0;
	p0 =	por @!p5 p3, p3;
	s0 =	simm.s32 @p2 $0x1  }
0xed: {  	[smem:$0x7DB] =	sst s0;
	s0 =	simm.s32 @!p0 $0x0  }
0xee: {  	s0 =	simm.s32 @p0 $0x1  }
0xef: {  	p1 =	por @!p5 p3, p3;
	[smem:$0x7DC] =	sst s0  }
.LBB2_4:
0xf0: {  	s0 =	sld [smem:$0x7E2];
	_ =	sdelay $0x1  }
0xf1: {  	s5 =	sld [smem:$0x7EE]  }
0xf2: {  	p3 =	seq.s32 s0, $0x1  }
0xf3: {  	s0 =	rddreg [dreg:$0xd];
	s26 =	simm.s32 @!p3 $0x1D85  }
0xf4: {  	[spmem:s0], [sflag:s26] =	dma.local @!p3 [hbm:s5], $0x1900  }
0xf5: {  	s5 =	sld [smem:$0x7FA]  }
0xf6: {  	s26 =	sshll.u32 @!p3 s3, $0x6  }
0xf7: {  	s26 =	sor.u32 @!p3 $0x1C05, s26;
	s0 =	rddreg [dreg:$0xe]  }
0xf8: {  	[spmem:s0], [sflag:s26] =	dma.local @!p3 [hbm:s5], $0x1900  }
0xf9: {  	s0 =	sld [smem:$0x7E3];
	_ =	sdelay $0x1  }
0xfa: {  	s5 =	sld [smem:$0x7ED]  }
0xfb: {  	p0 =	seq.s32 s0, $0x1  }
0xfc: {  	s0 =	rddreg [dreg:$0xf];
	s26 =	simm.s32 @!p0 $0x1DC5  }
0xfd: {  	[spmem:s0], [sflag:s26] =	dma.local @!p0 [hbm:s5], $0x1900  }
0xfe: {  	s5 =	sld [smem:$0x7FB]  }
0xff: {  	s26 =	sshll.u32 @!p0 s3, $0x6  }
0x100: {  	s26 =	sor.u32 @!p0 $0x1C05, s26;
	s0 =	rddreg [dreg:$0x10]  }
0x101: {  	[spmem:s0], [sflag:s26] =	dma.local @!p0 [hbm:s5], $0x1900  }
0x102: {  	s0 =	sld [smem:$0x7E4];
	_ =	sdelay $0x1  }
0x103: {  	s5 =	sld [smem:$0x7F0]  }
0x104: {  	p4 =	seq.s32 s0, $0x1  }
0x105: {  	s0 =	rddreg [dreg:$0x11];
	s26 =	simm.s32 @!p4 $0x1D05  }
0x106: {  	[spmem:s0], [sflag:s26] =	dma.local @!p4 [hbm:s5], $0x1900  }
0x107: {  	s5 =	sld [smem:$0x7F8]  }
0x108: {  	s26 =	sshll.u32 @!p4 s3, $0x6  }
0x109: {  	s26 =	sor.u32 @!p4 $0x1C05, s26;
	s0 =	rddreg [dreg:$0x12]  }
0x10a: {  	[spmem:s0], [sflag:s26] =	dma.local @!p4 [hbm:s5], $0x1900  }
0x10b: {  	s0 =	sld [smem:$0x7E6]  }
0x10c: {  	p2 =	por @!p3 $0x0, $0x0;
	p5 =	por @!p0 $0x1, $0x1  }
0x10d: {  	p1 =	por @!p0 $0x0, $0x0;
	p0 =	por @!p0 $0x0, $0x0;
	s5 =	sld [smem:$0x7EF]  }
0x10e: {  	p0 =	por @!p3 p2, p2;
	p2 =	por @!p3 $0x1, $0x1;
	p6 =	seq.s32 s0, $0x1  }
0x10f: {  	p1 =	por @!p3 p2, p2;
	s0 =	rddreg [dreg:$0x13];
	s26 =	simm.s32 @!p6 $0x1D45  }
0x110: {  	[spmem:s0], [sflag:s26] =	dma.local @!p6 [hbm:s5], $0x1900  }
0x111: {  	s0 =	simm.s32 @!p1 $0x0  }
0x112: {  	s0 =	simm.s32 @p1 $0x1;
	p1 =	por @!p3 $0x0, $0x0  }
0x113: {  	p5 =	por @!p3 p1, p1  }
0x114: {  	[smem:$0x7D4] =	sst s0;
	s0 =	simm.s32 @!p5 $0x0  }
0x115: {  	s5 =	sld [smem:$0x7F9];
	s0 =	simm.s32 @p5 $0x1  }
0x116: {  	s26 =	sshll.u32 @!p6 s3, $0x6;
	[smem:$0x7D8] =	sst s0  }
0x117: {  	s26 =	sor.u32 @!p6 $0x1C05, s26;
	s0 =	rddreg [dreg:$0x14]  }
0x118: {  	[spmem:s0], [sflag:s26] =	dma.local @!p6 [hbm:s5], $0x1900  }
0x119: {  	p2 =	por @!p4 $0x0, $0x0;
	p1 =	por @!p4 $0x1, $0x1;
	s0 =	sld [smem:$0x7E5]  }
0x11a: {  	p3 =	por @!p6 $0x0, $0x0;
	p5 =	por @!p6 $0x0, $0x0;
	p6 =	por @!p6 $0x1, $0x1  }
0x11b: {  	p3 =	por @!p4 p1, p1;
	p1 =	por p0, p0;
	p6 =	por @!p4 p2, p2  }
0x11c: {  	p5 =	por @!p4 p2, p2;
	p2 =	por p6, p6;
	p6 =	seq.s32 s0, $0x1  }
0x11d: {  	p1 =	por @!p6 p3, p3  }
0x11e: {  	s0 =	simm.s32 @!p1 $0x0  }
0x11f: {  	s0 =	simm.s32 @p1 $0x1;
	p1 =	por p0, p0  }
0x120: {  	p1 =	por @!p6 p2, p2  }
0x121: {  	p3 =	por p0, p0;
	[smem:$0x7D5] =	sst s0;
	s0 =	simm.s32 @!p1 $0x0  }
0x122: {  	p3 =	por @!p6 p5, p5;
	s0 =	simm.s32 @p1 $0x1  }
0x123: {  	p1 =	por p0, p0;
	[smem:$0x7D7] =	sst s0;
	s0 =	simm.s32 @!p3 $0x0  }
0x124: {  	p1 =	por @!p6 p5, p5;
	s0 =	simm.s32 @p3 $0x1  }
0x125: {  	p2 =	por p0, p0;
	[smem:$0x7D0] =	sst s0;
	s0 =	simm.s32 @!p1 $0x0  }
0x126: {  	s30 =	sld [smem:$0x7D4];
	p2 =	por @!p6 p5, p5;
	s0 =	simm.s32 @p1 $0x1  }
0x127: {  	p1 =	por p0, p0;
	[smem:$0x7D1] =	sst s0;
	s0 =	simm.s32 @!p2 $0x0  }
0x128: {  	p1 =	por @!p6 p5, p5;
	s0 =	simm.s32 @p2 $0x1  }
0x129: {  	[smem:$0x7D2] =	sst s0;
	s0 =	simm.s32 @!p1 $0x0  }
0x12a: {  	s0 =	simm.s32 @p1 $0x1;
	p1 =	seq.s32 s30, $0x1  }
0x12b: {  	p1 =	por @!p6 p5, p5  }
0x12c: {  	p2 =	por p0, p0;
	[smem:$0x7D3] =	sst s0;
	s0 =	simm.s32 @!p1 $0x0  }
0x12d: {  	s31 =	sld [smem:$0x7D8];
	p2 =	por @!p6 p5, p5;
	s0 =	simm.s32 @p1 $0x1  }
0x12e: {  	p3 =	por p0, p0;
	[smem:$0x7D4] =	sst s0;
	s0 =	simm.s32 @!p2 $0x0  }
0x12f: {  	p3 =	por @!p6 p5, p5;
	s0 =	simm.s32 @p2 $0x1  }
0x130: {  	p2 =	seq.s32 s31, $0x1;
	[smem:$0x7CF] =	sst s0;
	s0 =	simm.s32 @!p3 $0x0  }
0x131: {  	p2 =	por @!p6 p5, p5;
	s0 =	simm.s32 @p3 $0x1  }
0x132: {  	p3 =	por p0, p0;
	[smem:$0x7D6] =	sst s0;
	s0 =	simm.s32 @!p2 $0x0  }
0x133: {  	p3 =	por @!p6 p5, p5;
	s0 =	simm.s32 @p2 $0x1  }
0x134: {  	p2 =	por p0, p0;
	[smem:$0x7D8] =	sst s0;
	s0 =	simm.s32 @!p3 $0x0  }
0x135: {  	p2 =	por @!p6 p5, p5;
	s0 =	simm.s32 @p3 $0x1  }
0x136: {  	[smem:$0x7D9] =	sst s0;
	s0 =	simm.s32 @!p2 $0x0  }
0x137: {  	s0 =	simm.s32 @p2 $0x1;
	p2 =	por p0, p0  }
0x138: {  	p2 =	por @!p6 p5, p5  }
.Ltmp5:
0x139: {  	[smem:$0x7DA] =	sst s0;
	s0 =	simm.s32 @!p2 $0x0;
	(pc) =	sbr.rel .LBB2_8-.Ltmp5, $4  }
0x13a: {  	p1 =	por p0, p0;
	p0 =	por @!p6 p5, p5;
	s0 =	simm.s32 @p2 $0x1  }
0x13b: {  	[smem:$0x7DB] =	sst s0;
	s0 =	simm.s32 @!p0 $0x0  }
0x13c: {  	s0 =	simm.s32 @p0 $0x1  }
0x13d: {  	p1 =	por @!p6 p5, p5;
	[smem:$0x7DC] =	sst s0  }
.LBB2_7:
0x13e: {  	p5 =	sgt.s32 s3, $0xD  }
0x13f: {  	p0 =	seq.s32 @p5 s3, $0xE  }
0x140: {  	s0 =	rddreg [dreg:$0x16];
	p1 =	por !p0, !p5  }
0x141: {  	s26 =	sshrl.u32 @!p1 s0, $0x3;
	s28 =	simm.s32 @!p1 $0x1F85;
	s0 =	rddreg [dreg:$0x17]  }
0x142: {  	[spmem:s26], [sflag:s28] =	dma.local @!p1 [hbm:s0], $0x1900  }
0x143: {  	p0 =	por p0, !p5;
	s0 =	rddreg [dreg:$0x5]  }
0x144: {  	s28 =	simm.s32 @!p0 $0x1FC5;
	s26 =	sshrl.u32 @!p0 s0, $0x3;
	s0 =	rddreg [dreg:$0x15]  }
0x145: {  	[spmem:s26], [sflag:s28] =	dma.local @!p0 [hbm:s0], $0x1900  }
0x146: {  	s0 =	simm.s32 @!p0 $0x0  }
0x147: {  	s0 =	simm.s32 @p0 $0x1  }
0x148: {  	p3 =	seq.s32 @!p5 s3, $0xC;
	[smem:$0x7CA] =	sst s0  }
0x149: {  	p2 =	por !p3, p5;
	s0 =	rddreg [dreg:$0x1a]  }
0x14a: {  	s28 =	simm.s32 @!p2 $0x1F05;
	s26 =	sshrl.u32 @!p2 s0, $0x3;
	s0 =	rddreg [dreg:$0x1b]  }
0x14b: {  	[spmem:s26], [sflag:s28] =	dma.local @!p2 [hbm:s0], $0x1900  }
0x14c: {  	p4 =	por p3, p5;
	s0 =	rddreg [dreg:$0x18]  }
0x14d: {  	s28 =	simm.s32 @!p4 $0x1F45;
	s26 =	sshrl.u32 @!p4 s0, $0x3;
	s0 =	rddreg [dreg:$0x19]  }
0x14e: {  	[spmem:s26], [sflag:s28] =	dma.local @!p4 [hbm:s0], $0x1900  }
0x14f: {  	p6 =	por @!p0 $0x0, $0x0;
	s28 =	sld [smem:$0x7CA]  }
0x150: {  	p3 =	por p6, p6;
	p0 =	por @!p1 $0x1, $0x1  }
0x151: {  	p3 =	por @!p1 p0, p0  }
0x152: {  	s0 =	simm.s32 @!p3 $0x0;
	p0 =	seq.s32 s28, $0x1  }
0x153: {  	s0 =	simm.s32 @p3 $0x1;
	p3 =	por @!p1 $0x0, $0x0;
	p0 =	por @!p0 $0x1, $0x1  }
0x154: {  	p0 =	por @!p1 p3, p3  }
0x155: {  	[smem:$0x7D0] =	sst s0;
	p6 =	por @!p1 p3, p3;
	s0 =	simm.s32 @!p0 $0x0  }
0x156: {  	p1 =	por @!p2 $0x1, $0x1;
	s0 =	simm.s32 @p0 $0x1;
	p0 =	por @!p4 $0x0, $0x0  }
0x157: {  	p3 =	por p0, p0;
	p0 =	por @!p2 p1, p1  }
0x158: {  	[smem:$0x7DC] =	sst s0;
	s0 =	simm.s32 @!p0 $0x0  }
0x159: {  	s0 =	simm.s32 @p0 $0x1  }
0x15a: {  	[smem:$0x7CB] =	sst s0  }
0x15b: {  	p1 =	por @!p2 $0x0, $0x0;
	p0 =	por @!p4 $0x1, $0x1;
	s29 =	sld [smem:$0x7CB]  }
0x15c: {  	p4 =	por @!p2 $0x0, $0x0;
	p0 =	por @!p2 p1, p1  }
0x15d: {  	p3 =	por @!p2 p4, p4;
	s0 =	simm.s32 @!p0 $0x0  }
0x15e: {  	p4 =	por p6, p6;
	s0 =	simm.s32 @p0 $0x1;
	p0 =	seq.s32 s29, $0x1  }
0x15f: {  	p4 =	por @!p5 p0, p0  }
0x160: {  	[smem:$0x7CC] =	sst s0;
	s0 =	simm.s32 @!p4 $0x0  }
0x161: {  	s0 =	simm.s32 @p4 $0x1  }
0x162: {  	[smem:$0x7D1] =	sst s0;
	s0 =	simm.s32 @!p6 $0x0  }
0x163: {  	s0 =	simm.s32 @p6 $0x1  }
0x164: {  	[smem:$0x7D3] =	sst s0;
	s0 =	simm.s32 @!p6 $0x0  }
0x165: {  	s0 =	simm.s32 @p6 $0x1  }
0x166: {  	[smem:$0x7D4] =	sst s0;
	s0 =	simm.s32 @!p6 $0x0  }
0x167: {  	s0 =	simm.s32 @p6 $0x1  }
0x168: {  	[smem:$0x7D5] =	sst s0;
	s0 =	simm.s32 @!p6 $0x0  }
0x169: {  	s0 =	simm.s32 @p6 $0x1  }
0x16a: {  	[smem:$0x7CF] =	sst s0;
	s0 =	simm.s32 @!p6 $0x0  }
0x16b: {  	s31 =	sld [smem:$0x7D0];
	s0 =	simm.s32 @p6 $0x1  }
0x16c: {  	[smem:$0x7D7] =	sst s0;
	s0 =	simm.s32 @!p6 $0x0  }
0x16d: {  	s30 =	sld [smem:$0x7CC];
	s0 =	simm.s32 @p6 $0x1  }
0x16e: {  	[smem:$0x7D8] =	sst s0;
	s0 =	simm.s32 @!p6 $0x0  }
0x16f: {  	p1 =	por p6, p6;
	p2 =	por p6, p6;
	s0 =	simm.s32 @p6 $0x1  }
0x170: {  	p0 =	seq.s32 s30, $0x1;
	[smem:$0x7D9] =	sst s0;
	s0 =	simm.s32 @!p6 $0x0  }
0x171: {  	p4 =	por p6, p6;
	s0 =	simm.s32 @p6 $0x1;
	p6 =	por @!p5 p0, p0  }
0x172: {  	[smem:$0x7DA] =	sst s0;
	s0 =	simm.s32 @!p6 $0x0  }
0x173: {  	s0 =	simm.s32 @p6 $0x1;
	p6 =	seq.s32 s31, $0x1  }
0x174: {  	s5 =	sld [smem:$0x7D3];
	p6 =	por @!p5 p3, p3  }
0x175: {  	[smem:$0x7DB] =	sst s0;
	s0 =	simm.s32 @!p6 $0x0  }
0x176: {  	p4 =	por @!p5 p3, p3;
	s0 =	simm.s32 @p6 $0x1  }
0x177: {  	[smem:$0x7D0] =	sst s0;
	s0 =	simm.s32 @!p4 $0x0  }
0x178: {  	s11 =	sld [smem:$0x7D4];
	s0 =	simm.s32 @p4 $0x1;
	p4 =	seq.s32 s5, $0x1  }
0x179: {  	p4 =	por @!p5 p3, p3  }
0x17a: {  	[smem:$0x7D2] =	sst s0;
	s0 =	simm.s32 @!p4 $0x0  }
0x17b: {  	s12 =	sld [smem:$0x7D5];
	s0 =	simm.s32 @p4 $0x1;
	p4 =	seq.s32 s11, $0x1  }
0x17c: {  	s13 =	sld [smem:$0x7CF];
	p4 =	por @!p5 p3, p3  }
0x17d: {  	[smem:$0x7D3] =	sst s0;
	s0 =	simm.s32 @!p4 $0x0  }
0x17e: {  	s0 =	simm.s32 @p4 $0x1;
	p4 =	seq.s32 s12, $0x1  }
0x17f: {  	p4 =	por @!p5 p3, p3  }
0x180: {  	p0 =	seq.s32 s13, $0x1;
	[smem:$0x7D4] =	sst s0;
	s0 =	simm.s32 @!p4 $0x0  }
0x181: {  	s26 =	sld [smem:$0x7D7];
	p0 =	por @!p5 p3, p3;
	s0 =	simm.s32 @p4 $0x1  }
0x182: {  	[smem:$0x7D5] =	sst s0;
	s0 =	simm.s32 @!p0 $0x0  }
0x183: {  	p2 =	por @!p5 p3, p3;
	s28 =	sld [smem:$0x7D8];
	s0 =	simm.s32 @p0 $0x1  }
0x184: {  	p0 =	seq.s32 s26, $0x1;
	[smem:$0x7CF] =	sst s0;
	s0 =	simm.s32 @!p2 $0x0  }
0x185: {  	p0 =	por @!p5 p3, p3;
	s0 =	simm.s32 @p2 $0x1  }
0x186: {  	[smem:$0x7D6] =	sst s0;
	s0 =	simm.s32 @!p0 $0x0  }
0x187: {  	s29 =	sld [smem:$0x7D9];
	s0 =	simm.s32 @p0 $0x1;
	p0 =	seq.s32 s28, $0x1  }
0x188: {  	p0 =	por @!p5 p3, p3  }
0x189: {  	[smem:$0x7D7] =	sst s0;
	s0 =	simm.s32 @!p0 $0x0  }
0x18a: {  	s30 =	sld [smem:$0x7DA];
	s0 =	simm.s32 @p0 $0x1;
	p0 =	seq.s32 s29, $0x1  }
0x18b: {  	p0 =	por @!p5 p3, p3  }
0x18c: {  	[smem:$0x7D8] =	sst s0;
	s0 =	simm.s32 @!p0 $0x0  }
0x18d: {  	s31 =	sld [smem:$0x7DC];
	s0 =	simm.s32 @p0 $0x1;
	p0 =	seq.s32 s30, $0x1  }
0x18e: {  	p0 =	por @!p5 p3, p3  }
0x18f: {  	[smem:$0x7D9] =	sst s0;
	s0 =	simm.s32 @!p0 $0x0  }
0x190: {  	s0 =	simm.s32 @p0 $0x1;
	p0 =	seq.s32 s31, $0x1  }
0x191: {  	p0 =	por @!p5 p3, p3  }
0x192: {  	[smem:$0x7DA] =	sst s0;
	s0 =	simm.s32 @!p0 $0x0  }
0x193: {  	s0 =	simm.s32 @p0 $0x1  }
0x194: {  	p1 =	por @!p5 p3, p3;
	[smem:$0x7DC] =	sst s0  }
.LBB2_8:
0x195: {  	s0 =	simm.s32 @!p1 $0x0  }
0x196: {  	[tilespmem:s4], [sflag:$0x6] =	stream.linear.gather [hbm4b:s8+s4], $0x3E80, $0x38;
	[tilespmem:$0x1C880] =	vst v63  }
0x197: {  	s0 =	simm.s32 @p1 $0x1  }
0x198: {  	[smem:$0x7CE] =	sst s0  }
0x199: {  	_ =	swait.ge [sflag:s15], $0x3E80  }
0x19a: {  	[sflag:s15] =	ssyncset.done $0x0  }
0x19b: {  	[sflag:s15] =	ssyncadd.s32 $0xFFFFC180  }
0x19c: {  	[tilespmem:s17], [sflag:$0x1] =	stream.indirect.gather [hbm4b:s1+s16], $0x80, s4, s16, $0xb8;
	[tilespmem:$0x1C880] =	vst v63  }
0x19d: {  	_ = 	snop  }
0x19e: {  	[tilespmem:s19], [sflag:$0x2] =	stream.indirect.gather [hbm4b:s1+s16], $0x80, s18, s16, $0xb8;
	[tilespmem:$0x1C880] =	vst v63  }
0x19f: {  	_ =	swait.ge [sflag:s20], $0x2800  }
0x1a0: {  	[sflag:s20] =	ssyncset.done $0x0  }
0x1a1: {  	[sflag:s20] =	ssyncadd.s32 $0xFFFFD800  }
0x1a2: {  	[hbm4b:s6+s4] =	stream.linear.scatter [tilespmem:s17], [sflag:$0x3], $0x2800, $0x38;
	[tilespmem:$0x1C880] =	vst v63  }
0x1a3: {  	_ =	swait.ge [sflag:s21], $0x2800  }
0x1a4: {  	[sflag:s21] =	ssyncset.done $0x0  }
0x1a5: {  	[sflag:s21] =	ssyncadd.s32 $0xFFFFD800  }
0x1a6: {  	_ =	swait.ge [sflag:s22], $0x2800  }
0x1a7: {  	p3 =	sne.s32 s3, $0x0;
	[sflag:s22] =	ssyncset.done $0x0  }
0x1a8: {  	s26 =	simm.s32 @!p3 $0x5;
	[sflag:s22] =	ssyncadd.s32 $0xFFFFD800  }
0x1a9: {  	[hbm4b:s9+s4] =	stream.linear.scatter [tilespmem:s19], [sflag:$0x4], $0x2800, $0x38;
	[tilespmem:$0x1C880] =	vst v63  }
0x1aa: {  	_ =	swait.ge @!p3 [sflag:s26], $0x1900  }
0x1ab: {  	s5 =	sld [smem:$0x7CF];
	_ =	sdelay $0x2  }
0x1ac: {  	p0 =	seq.s32 s5, $0x1  }
0x1ad: {  	s0 =	simm.s32 @!p0 $0x0  }
0x1ae: {  	[sflag:s26] =	ssyncset.done @!p3 $0x0;
	s0 =	simm.s32 @p0 $0x1  }
0x1af: {  	[sflag:s26] =	ssyncadd.s32 @!p3 $0xFFFFE700;
	s28 =	simm.s32 @p0 $0x5;
	[smem:$0x7CF] =	sst s0  }
0x1b0: {  	_ =	swait.ge @p0 [sflag:s28], $0x1900  }
0x1b1: {  	[sflag:s28] =	ssyncset.done @p0 $0x0  }
0x1b2: {  	s29 =	simm.s32 @p1 $0x5;
	[sflag:s28] =	ssyncadd.s32 @p0 $0xFFFFE700  }
0x1b3: {  	_ =	swait.ge @p1 [sflag:s29], $0x1900  }
0x1b4: {  	s11 =	sld [smem:$0x7D6];
	_ =	sdelay $0x2  }
0x1b5: {  	p0 =	seq.s32 s11, $0x1  }
0x1b6: {  	s0 =	simm.s32 @!p0 $0x0  }
0x1b7: {  	[sflag:s29] =	ssyncset.done @p1 $0x0;
	s0 =	simm.s32 @p0 $0x1  }
0x1b8: {  	[sflag:s29] =	ssyncadd.s32 @p1 $0xFFFFE700;
	s30 =	simm.s32 @p0 $0x5;
	[smem:$0x7D6] =	sst s0  }
0x1b9: {  	_ =	swait.ge @p0 [sflag:s30], $0x1900  }
0x1ba: {  	s12 =	sld [smem:$0x7D5];
	_ =	sdelay $0x2  }
0x1bb: {  	[sflag:s30] =	ssyncset.done @p0 $0x0;
	p6 =	seq.s32 s12, $0x1  }
0x1bc: {  	[sflag:s30] =	ssyncadd.s32 @p0 $0xFFFFE700;
	s31 =	simm.s32 @p6 $0x5  }
0x1bd: {  	_ =	swait.ge @p6 [sflag:s31], $0x1900  }
0x1be: {  	s13 =	sld [smem:$0x7D7];
	_ =	sdelay $0x2  }
0x1bf: {  	[sflag:s31] =	ssyncset.done @p6 $0x0;
	p2 =	seq.s32 s13, $0x1  }
0x1c0: {  	[sflag:s31] =	ssyncadd.s32 @p6 $0xFFFFE700;
	s0 =	simm.s32 @p2 $0x5  }
0x1c1: {  	_ =	swait.ge @p2 [sflag:s0], $0x1900  }
0x1c2: {  	s5 =	sld [smem:$0x7D4];
	_ =	sdelay $0x2  }
0x1c3: {  	[sflag:s0] =	ssyncset.done @p2 $0x0;
	p1 =	seq.s32 s5, $0x1  }
0x1c4: {  	[sflag:s0] =	ssyncadd.s32 @p2 $0xFFFFE700;
	s5 =	simm.s32 @p1 $0x5  }
0x1c5: {  	_ =	swait.ge @p1 [sflag:s5], $0x1900  }
0x1c6: {  	s11 =	sld [smem:$0x7D8];
	_ =	sdelay $0x2  }
0x1c7: {  	[sflag:s5] =	ssyncset.done @p1 $0x0;
	p5 =	seq.s32 s11, $0x1  }
0x1c8: {  	[sflag:s5] =	ssyncadd.s32 @p1 $0xFFFFE700;
	s11 =	simm.s32 @p5 $0x5  }
0x1c9: {  	_ =	swait.ge @p5 [sflag:s11], $0x1900  }
0x1ca: {  	s12 =	sld [smem:$0x7D3];
	_ =	sdelay $0x2  }
0x1cb: {  	[sflag:s11] =	ssyncset.done @p5 $0x0;
	p0 =	seq.s32 s12, $0x1  }
0x1cc: {  	[sflag:s11] =	ssyncadd.s32 @p5 $0xFFFFE700;
	s12 =	simm.s32 @p0 $0x5  }
0x1cd: {  	_ =	swait.ge @p0 [sflag:s12], $0x1900  }
0x1ce: {  	s13 =	sld [smem:$0x7D9];
	_ =	sdelay $0x2  }
0x1cf: {  	[sflag:s12] =	ssyncset.done @p0 $0x0;
	p4 =	seq.s32 s13, $0x1  }
0x1d0: {  	[sflag:s12] =	ssyncadd.s32 @p0 $0xFFFFE700;
	s13 =	simm.s32 @p4 $0x5  }
0x1d1: {  	_ =	swait.ge @p4 [sflag:s13], $0x1900  }
0x1d2: {  	[sflag:s13] =	ssyncset.done @p4 $0x0  }
0x1d3: {  	[sflag:s13] =	ssyncadd.s32 @p4 $0xFFFFE700;
	s13 =	sld [smem:$0x7D2];
	_ =	sdelay $0x2  }
0x1d4: {  	p4 =	seq.s32 s13, $0x1  }
0x1d5: {  	s13 =	simm.s32 @p4 $0x5  }
0x1d6: {  	_ =	swait.ge @p4 [sflag:s13], $0x1900  }
0x1d7: {  	[sflag:s13] =	ssyncset.done @p4 $0x0  }
0x1d8: {  	[sflag:s13] =	ssyncadd.s32 @p4 $0xFFFFE700;
	s13 =	sld [smem:$0x7DA];
	_ =	sdelay $0x2  }
0x1d9: {  	p4 =	seq.s32 s13, $0x1  }
0x1da: {  	s13 =	simm.s32 @p4 $0x5  }
0x1db: {  	_ =	swait.ge @p4 [sflag:s13], $0x1900  }
0x1dc: {  	[sflag:s13] =	ssyncset.done @p4 $0x0  }
0x1dd: {  	[sflag:s13] =	ssyncadd.s32 @p4 $0xFFFFE700;
	s13 =	sld [smem:$0x7D1];
	_ =	sdelay $0x2  }
0x1de: {  	p4 =	seq.s32 s13, $0x1  }
0x1df: {  	s13 =	simm.s32 @p4 $0x5  }
0x1e0: {  	_ =	swait.ge @p4 [sflag:s13], $0x1900  }
0x1e1: {  	[sflag:s13] =	ssyncset.done @p4 $0x0  }
0x1e2: {  	[sflag:s13] =	ssyncadd.s32 @p4 $0xFFFFE700;
	s13 =	sld [smem:$0x7DB];
	_ =	sdelay $0x2  }
0x1e3: {  	p4 =	seq.s32 s13, $0x1  }
0x1e4: {  	s13 =	simm.s32 @p4 $0x5  }
0x1e5: {  	_ =	swait.ge @p4 [sflag:s13], $0x1900  }
0x1e6: {  	[sflag:s13] =	ssyncset.done @p4 $0x0  }
0x1e7: {  	[sflag:s13] =	ssyncadd.s32 @p4 $0xFFFFE700;
	s13 =	sld [smem:$0x7D0];
	_ =	sdelay $0x2  }
0x1e8: {  	p4 =	seq.s32 s13, $0x1  }
0x1e9: {  	s13 =	simm.s32 @p4 $0x5  }
0x1ea: {  	_ =	swait.ge @p4 [sflag:s13], $0x1900  }
0x1eb: {  	[sflag:s13] =	ssyncset.done @p4 $0x0  }
0x1ec: {  	[sflag:s13] =	ssyncadd.s32 @p4 $0xFFFFE700;
	s13 =	sld [smem:$0x7DC];
	_ =	sdelay $0x2  }
0x1ed: {  	p4 =	por p3, p3;
	p3 =	seq.s32 s13, $0x1  }
0x1ee: {  	s13 =	simm.s32 @p3 $0x5  }
0x1ef: {  	_ =	swait.ge @p3 [sflag:s13], $0x1900  }
0x1f0: {  	[sflag:s13] =	ssyncset.done @p3 $0x0  }
0x1f1: {  	[sflag:s13] =	ssyncadd.s32 @p3 $0xFFFFE700  }
0x1f2: {  	_ =	swait.ge @!p4 [sflag:s26], $0x1900  }
0x1f3: {  	[sflag:s26] =	ssyncset.done @!p4 $0x0  }
0x1f4: {  	[sflag:s26] =	ssyncadd.s32 @!p4 $0xFFFFE700;
	s26 =	sld [smem:$0x7CF];
	_ =	sdelay $0x2  }
0x1f5: {  	p3 =	seq.s32 s26, $0x1  }
0x1f6: {  	_ =	swait.ge @p3 [sflag:s28], $0x1900  }
0x1f7: {  	s26 =	sld [smem:$0x7CE];
	_ =	sdelay $0x1  }
0x1f8: {  	[sflag:s28] =	ssyncset.done @p3 $0x0  }
0x1f9: {  	[sflag:s28] =	ssyncadd.s32 @p3 $0xFFFFE700;
	p3 =	seq.s32 s26, $0x1  }
0x1fa: {  	_ =	swait.ge @p3 [sflag:s29], $0x1900  }
0x1fb: {  	s26 =	sld [smem:$0x7D6];
	_ =	sdelay $0x1  }
0x1fc: {  	[sflag:s29] =	ssyncset.done @p3 $0x0  }
0x1fd: {  	[sflag:s29] =	ssyncadd.s32 @p3 $0xFFFFE700;
	p3 =	seq.s32 s26, $0x1  }
0x1fe: {  	_ =	swait.ge @p3 [sflag:s30], $0x1900  }
0x1ff: {  	[sflag:s30] =	ssyncset.done @p3 $0x0  }
0x200: {  	[sflag:s30] =	ssyncadd.s32 @p3 $0xFFFFE700  }
0x201: {  	_ =	swait.ge @p6 [sflag:s31], $0x1900  }
0x202: {  	[sflag:s31] =	ssyncset.done @p6 $0x0  }
0x203: {  	[sflag:s31] =	ssyncadd.s32 @p6 $0xFFFFE700  }
0x204: {  	_ =	swait.ge @p2 [sflag:s0], $0x1900  }
0x205: {  	[sflag:s0] =	ssyncset.done @p2 $0x0  }
0x206: {  	[sflag:s0] =	ssyncadd.s32 @p2 $0xFFFFE700  }
0x207: {  	_ =	swait.ge @p1 [sflag:s5], $0x1900  }
0x208: {  	[sflag:s5] =	ssyncset.done @p1 $0x0  }
0x209: {  	[sflag:s5] =	ssyncadd.s32 @p1 $0xFFFFE700  }
0x20a: {  	_ =	swait.ge @p5 [sflag:s11], $0x1900  }
0x20b: {  	[sflag:s11] =	ssyncset.done @p5 $0x0  }
0x20c: {  	[sflag:s11] =	ssyncadd.s32 @p5 $0xFFFFE700  }
0x20d: {  	_ =	swait.ge @p0 [sflag:s12], $0x1900  }
0x20e: {  	[sflag:s12] =	ssyncset.done @p0 $0x0  }
0x20f: {  	[sflag:s12] =	ssyncadd.s32 @p0 $0xFFFFE700  }
0x210: {  	[bflag:$0x0] =	sbarrier.arrive $0xFFFF  }
0x211: {  	[tilespmem:s17], [sflag:$0x1] =	stream.indirect.gather [spmem:s2], $0x80, s23, s16, $0xb8;
	[tilespmem:$0x1C880] =	vst v63  }
0x212: {  	_ =	swait.ge [sflag:s24], $0x2800  }
0x213: {  	[sflag:s24] =	ssyncset.done $0x0  }
0x214: {  	s12 =	simm.s32 $0x180;
	[sflag:s24] =	ssyncadd.s32 $0xFFFFD800  }
0x215: {  	[tilespmem:s19], [sflag:$0x2] =	stream.indirect.gather [spmem:s2], $0x80, s12, s16, $0xb8;
	[tilespmem:$0x1C880] =	vst v63  }
0x216: {  	_ =	swait.ge [sflag:s20], $0x2800  }
0x217: {  	s13 =	sadd.s32 $0x0, s7;
	[sflag:s20] =	ssyncset.done $0x0  }
0x218: {  	s30 =	sadd.s32 $0xA00, s13;
	[sflag:s20] =	ssyncadd.s32 $0xFFFFD800  }
0x219: {  	[hbm4b:s30+s4] =	stream.linear.scatter [tilespmem:s17], [sflag:$0x3], $0x2800, $0x38;
	[tilespmem:$0x1C880] =	vst v63  }
0x21a: {  	_ =	swait.ge [sflag:s21], $0x2800  }
0x21b: {  	[sflag:s21] =	ssyncset.done $0x0  }
0x21c: {  	s31 =	simm.s32 $0x200;
	[sflag:s21] =	ssyncadd.s32 $0xFFFFD800  }
0x21d: {  	[tilespmem:s17], [sflag:$0x1] =	stream.indirect.gather [spmem:s2], $0x80, s31, s16, $0xb8;
	[tilespmem:$0x1C880] =	vst v63  }
0x21e: {  	_ =	swait.ge [sflag:s22], $0x2800  }
0x21f: {  	s28 =	simm.s32 $0x280;
	[sflag:s22] =	ssyncset.done $0x0  }
0x220: {  	s29 =	sadd.s32 $0xF00, s13;
	s26 =	simm.s32 $0xA00;
	[sflag:s22] =	ssyncadd.s32 $0xFFFFD800  }
.LBB2_9:
0x221: {  	[hbm4b:s29+s4] =	stream.linear.scatter [tilespmem:s19], [sflag:$0x4], $0x2800, $0x38;
	[tilespmem:$0x1C880] =	vst v63  }
0x222: {  	s0 =	smov.u32 s26  }
0x223: {  	p0 =	sne.s32 s26, $0x25800;
	s26 =	sadd.s32 $0xA00, s26;
	_ =	swait.ge [sflag:s24], $0x2800  }
0x224: {  	[sflag:s24] =	ssyncset.done $0x0  }
0x225: {  	[sflag:s24] =	ssyncadd.s32 $0xFFFFD800  }
0x226: {  	[tilespmem:s19], [sflag:$0x2] =	stream.indirect.gather [spmem:s2], $0x80, s28, s16, $0xb8;
	[tilespmem:$0x1C880] =	vst v63  }
0x227: {  	_ =	swait.ge [sflag:s20], $0x2800  }
0x228: {  	s0 =	sadd.s32 s0, s7;
	[sflag:s20] =	ssyncset.done $0x0  }
0x229: {  	s5 =	sadd.s32 $0xA00, s0;
	[sflag:s20] =	ssyncadd.s32 $0xFFFFD800  }
0x22a: {  	[hbm4b:s5+s4] =	stream.linear.scatter [tilespmem:s17], [sflag:$0x3], $0x2800, $0x38;
	[tilespmem:$0x1C880] =	vst v63  }
0x22b: {  	_ =	swait.ge [sflag:s21], $0x2800  }
0x22c: {  	[sflag:s21] =	ssyncset.done $0x0  }
.Ltmp6:
0x22d: {  	s5 =	sadd.s32 $0x80, s28;
	[sflag:s21] =	ssyncadd.s32 $0xFFFFD800;
	(pc) =	sbr.rel @p0 .LBB2_9-.Ltmp6, $4  }
0x22e: {  	[tilespmem:s17], [sflag:$0x1] =	stream.indirect.gather [spmem:s2], $0x80, s5, s16, $0xb8;
	[tilespmem:$0x1C880] =	vst v63  }
0x22f: {  	_ =	swait.ge [sflag:s22], $0x2800  }
0x230: {  	[sflag:s22] =	ssyncset.done $0x0  }
0x231: {  	s29 =	sadd.s32 $0xF00, s0;
	s28 =	sadd.s32 $0x100, s28;
	[sflag:s22] =	ssyncadd.s32 $0xFFFFD800  }
0x232: {  	[hbm4b:s29+s4] =	stream.linear.scatter [tilespmem:s19], [sflag:$0x4], $0x2800, $0x38;
	[tilespmem:$0x1C880] =	vst v63  }
0x233: {  	_ =	swait.ge [sflag:s24], $0x2800  }
0x234: {  	[sflag:s24] =	ssyncset.done $0x0  }
0x235: {  	[sflag:s24] =	ssyncadd.s32 $0xFFFFD800  }
0x236: {  	s25 =	sadd.s32 $0x1, s25;
	_ =	swait.ge [sflag:s20], $0x2800  }
0x237: {  	p0 =	sne.s32 s25, s10;
	[sflag:s20] =	ssyncset.done $0x0  }
.Ltmp7:
0x238: {  	[sflag:s20] =	ssyncadd.s32 $0xFFFFD800;
	(pc) =	sbr.rel @p0 .LBB2_1-.Ltmp7, $4  }
0x239: {  	[hbm4b:s14+s4] =	stream.linear.scatter [tilespmem:s17], [sflag:$0x3], $0x2800, $0x38;
	[tilespmem:$0x1C880] =	vst v63  }
0x23a: {  	_ =	swait.ge [sflag:s21], $0x2800  }
0x23b: {  	[sflag:s21] =	ssyncset.done $0x0  }
0x23c: {  	[sflag:s21] =	ssyncadd.s32 $0xFFFFD800  }
0x23d: {  	_ =	sfence.sel $0x180000  }
0x23e: {  	[bflag:$0x0] =	sbarrier.arrive $0xFFFF  }
0x23f: {  	_ =	strace $0x90000047  }
0x240: {  	[bflag:$0x2] =	sbarrier.arrive $0xFFFF  }
0x241: {  	s0 =	rddreg [dreg:$0x4]  }
0x242: {  	s0 =	sadd.s32 @!p4 $0x100000, s0  }
0x243: {  	[sflag:s0] =	ssyncadd.tile.s32 @!p4 $0x1;
	_ =	shalt  }
.Lfunc_end2:
_tile_overlayer_lowered:
.L_overlay_start_2:
0x244: {  	(tag) =	ssettag $0x2  }
0x245: {  	s0 =	rddreg [dreg:$0x0];
	s2 =	stileid.u32  }
0x246: {  	s1 =	rddreg [dreg:$0x1];
	p0 =	sne.s32 s2, $0x0  }
0x247: {  	s3 =	rddreg [dreg:$0x2];
	[bflag:$0x3] =	sbarrier.arrive $0xFFFF;
	s2 =	simm.s32 @!p0 $0x1C06  }
0x248: {  	[timem:s3], [sflag:s2] =	dma.local @!p0 [hbm:s0], s1  }
0x249: {  	s0 =	simm.s32 @!p0 $0x6  }
0x24a: {  	_ =	swait.ge @!p0 [sflag:s0], s1  }
0x24b: {  	s1 =	ssub.s32 @!p0 $0x0, s1;
	[sflag:s0] =	ssyncset.done @!p0 $0x0  }
0x24c: {  	[sflag:s0] =	ssyncadd.s32 @!p0 s1  }
0x24d: {  	[bflag:$0x3] =	sbarrier.arrive $0xFFFF  }
0x24e: {  	_ =	shalt  }

</sc_bundles>
